<compile_context>
chip_gen: v7x
topology: tpu7x:2x2x1
jax: 0.10.2.dev20260603
libtpu: 0.0.44.dev20260713+nightly
codegen_flags: <defaults>
</compile_context>

<pallas_src>
import functools

import jax
import jax.numpy as jnp
from jax import lax
from jax.experimental import pallas as pl
from jax.experimental.pallas import tpu as pltpu
from jax.experimental.pallas import tpu_sc as plsc

BATCH = 16384
HIST_LEN = 50
EMBEDDING_DIM = 64
TOTAL = BATCH * HIST_LEN

_INFO = plsc.get_sparse_core_info()
NUM_CORES = _INFO.num_cores
NUM_SUBCORES = _INFO.num_subcores
NUM_WORKERS = NUM_CORES * NUM_SUBCORES

BATCH_PER_WORKER = BATCH // NUM_WORKERS
PER_WORKER = BATCH_PER_WORKER * HIST_LEN
GB = 8
CHUNK = GB * HIST_LEN
STEPS = BATCH_PER_WORKER // GB
NBUF = 2


def _gather_kernel(table_hbm, idx_hbm, out_hbm, idx_all, rows, *sems):
    gsems = sems[:NBUF]
    ssems = sems[NBUF:]
    wid = lax.axis_index("s") * NUM_CORES + lax.axis_index("c")
    row_base = wid * PER_WORKER
    batch_base = wid * BATCH_PER_WORKER

    def idx_slice(i):
        return idx_all.at[pl.ds(i * CHUNK, CHUNK)]

    def start_gather(i, b):
        pltpu.async_copy(table_hbm.at[idx_slice(i)], rows.at[b], gsems[b])

    def wait_gather(i, b):
        pltpu.make_async_copy(
            table_hbm.at[idx_slice(i)], rows.at[b], gsems[b]
        ).wait()

    def start_store(i, b):
        for g in range(GB):
            pltpu.async_copy(
                rows.at[b, pl.ds(g * HIST_LEN, HIST_LEN)],
                out_hbm.at[batch_base + i * GB + g],
                ssems[b],
            )

    def wait_store(i, b):
        for g in range(GB):
            pltpu.make_async_copy(
                rows.at[b, pl.ds(g * HIST_LEN, HIST_LEN)],
                out_hbm.at[batch_base + i * GB + g],
                ssems[b],
            ).wait()

    pltpu.sync_copy(idx_hbm.at[pl.ds(row_base, PER_WORKER)], idx_all)

    for b in range(NBUF):
        start_gather(b, b)

    @pl.loop(0, STEPS, step=NBUF)
    def _outer(g):
        for b in range(NBUF):
            i = g + b
            wait_gather(i, b)
            start_store(i, b)

            @pl.when(i + NBUF < STEPS)
            def _():
                wait_store(i, b)
                start_gather(i + NBUF, b)

    for b in range(NBUF):
        wait_store(STEPS - NBUF + b, b)


@jax.jit
def _gather(table, idx_flat):
    mesh = plsc.VectorSubcoreMesh(core_axis_name="c", subcore_axis_name="s")
    run = functools.partial(
        pl.kernel,
        mesh=mesh,
        out_type=jax.ShapeDtypeStruct(
            (BATCH, HIST_LEN, EMBEDDING_DIM), jnp.float32
        ),
        scratch_types=[
            pltpu.VMEM((PER_WORKER,), jnp.int32),
            pltpu.VMEM((NBUF, CHUNK, EMBEDDING_DIM), jnp.float32),
        ]
        + [pltpu.SemaphoreType.DMA] * (2 * NBUF),
        compiler_params=pltpu.CompilerParams(use_tc_tiling_on_sc=False),
    )(_gather_kernel)
    return run(table, idx_flat)


def kernel(token_ids, embedding_matrix):
    idx_flat = token_ids.reshape(TOTAL).astype(jnp.int32)
    return _gather(embedding_matrix, idx_flat)

# --- scband reference (transcript-rebuilt; emitter-appended) ---
"""Pipeline reference for scband-embedding-module-82884278878358 (READ-ONLY COPY).

The authoritative reference and input builder live on the scoring server;
editing this copy changes nothing except your own understanding.
"""

import jax, jax.numpy as jnp
import numpy as np

NUM_EMBEDDINGS = 1000000
EMBEDDING_DIM = 64
BATCH = 16384
HIST_LEN = 50


def setup_inputs(seed: int = 0) -> dict:
    key = jax.random.key(seed)
    k_idx, k_emb = jax.random.split(key)
    token_ids = jax.random.randint(k_idx, (BATCH, HIST_LEN), 0, NUM_EMBEDDINGS, dtype=jnp.int64 if jax.config.jax_enable_x64 else jnp.int32)
    # trunc_normal_(std=1, a=-3, b=3)
    embedding_matrix = jax.random.truncated_normal(k_emb, -3.0, 3.0, (NUM_EMBEDDINGS, EMBEDDING_DIM), dtype=jnp.float32)
    return {"token_ids": token_ids, "embedding_matrix": embedding_matrix}


def reference(token_ids, embedding_matrix):
    # Faithful translation of: self.embedding_matrix[token_ids]
    return jnp.take(embedding_matrix, token_ids, axis=0)

if __name__ == "__main__":
    import jax
    _d = setup_inputs()
    print(jax.jit(kernel)(*tuple(_d.values())))

</pallas_src>

<mosaic_0001>
#map = affine_map<(d0, d1) -> (0, 0)>
#map1 = affine_map<(d0, d1) -> (0)>
#map2 = affine_map<(d0, d1) -> (0, 0, 0)>
module attributes {stable_mosaic.version = 14 : i64} {
  func.func @_gather_kernel(%arg0: i32, %arg1: i32, %arg2: memref<1000000x64xf32, #tpu.memory_space<hbm>>, %arg3: memref<819200xi32, #tpu.memory_space<hbm>>, %arg4: memref<16384x50x64xf32, #tpu.memory_space<hbm>>, %arg5: memref<25600xi32, #tpu.memory_space<vmem>>, %arg6: memref<2x400x64xf32, #tpu.memory_space<vmem>>, %arg7: memref<!tpu.dma_semaphore, #tpu.memory_space<semaphore_mem>>, %arg8: memref<!tpu.dma_semaphore, #tpu.memory_space<semaphore_mem>>, %arg9: memref<!tpu.dma_semaphore, #tpu.memory_space<semaphore_mem>>, %arg10: memref<!tpu.dma_semaphore, #tpu.memory_space<semaphore_mem>>) attributes {dimension_semantics = [#tpu.dimension_semantics<core_parallel>, #tpu.dimension_semantics<subcore_parallel>], iteration_bounds = array<i64: 2, 16>, scalar_prefetch = 0 : i64, scratch_operands = 6 : i64, tpu.core_type = #tpu.core_type<sc_vector_subcore>, window_params = [{transform_indices = #map}, {transform_indices = #map1}, {transform_indices = #map2}]} {
    %mul3A = arith.constant 2 : i32
    %mul3A_0 = arith.muli %arg1, %mul3A : i32
    %add3A = arith.addi %mul3A_0, %arg0 : i32
    %mul3A_1 = arith.constant 25600 : i32
    %mul3A_2 = arith.muli %add3A, %mul3A_1 : i32
    %mul3A_3 = arith.constant 512 : i32
    %mul3A_4 = arith.muli %add3A, %mul3A_3 : i32
    "tpu.region"() ({
      %run_scoped3A = tpu.sem_alloc : memref<!tpu.dma_semaphore, #tpu.memory_space<semaphore_mem>>
      %dma_start3A_363 = tpu.memref_slice %arg3[%mul3A_2] : memref<819200xi32, #tpu.memory_space<hbm>> -> memref<25600xi32, #tpu.memory_space<hbm>>
      %dma_start3A_364 = tpu.memref_slice %arg3[%mul3A_2] : memref<819200xi32, #tpu.memory_space<hbm>> -> memref<25600xi32, #tpu.memory_space<hbm>>
      tpu.enqueue_dma source(%dma_start3A_364 : memref<25600xi32, #tpu.memory_space<hbm>>) target(%arg5 : memref<25600xi32, #tpu.memory_space<vmem>>) target_semaphore(%run_scoped3A : memref<!tpu.dma_semaphore, #tpu.memory_space<semaphore_mem>>)
      %dma_wait3A_365 = tpu.memref_slice %arg3[%mul3A_2] : memref<819200xi32, #tpu.memory_space<hbm>> -> memref<25600xi32, #tpu.memory_space<hbm>>
      %dma_wait3A_366 = tpu.memref_slice %arg3[%mul3A_2] : memref<819200xi32, #tpu.memory_space<hbm>> -> memref<25600xi32, #tpu.memory_space<hbm>>
      tpu.wait_dma2 semaphore(%run_scoped3A : memref<!tpu.dma_semaphore, #tpu.memory_space<semaphore_mem>>) src(%dma_wait3A_366 : memref<25600xi32, #tpu.memory_space<hbm>>) dst(%arg5 : memref<25600xi32, #tpu.memory_space<vmem>>)
      tpu.yield
    }) : () -> ()
    %dma_start3A = arith.constant 0 : i32
    %dma_start3A_5 = arith.constant 0 : i32
    %dma_start3A_6 = arith.constant 0 : i32
    %dma_start3A_7 = tpu.memref_slice %arg6[%dma_start3A, %dma_start3A_5, %dma_start3A_6] : memref<2x400x64xf32, #tpu.memory_space<vmem>> -> memref<1x400x64xf32, #tpu.memory_space<vmem>>
    %dma_start3A_8 = tpu.memref_squeeze %dma_start3A_7 : memref<1x400x64xf32, #tpu.memory_space<vmem>> -> memref<400x64xf32, #tpu.memory_space<vmem>>
    %dma_start3A_9 = arith.constant 0 : i32
    %dma_start3A_10 = tpu.memref_slice %arg5[%dma_start3A_9] : memref<25600xi32, #tpu.memory_space<vmem>> -> memref<400xi32, #tpu.memory_space<vmem>>
    %dma_start3A_11 = arith.constant 0 : i32
    %dma_start3A_12 = arith.constant 0 : i32
    %dma_start3A_13 = tpu.memref_slice %arg2[%dma_start3A_11, %dma_start3A_12] : memref<1000000x64xf32, #tpu.memory_space<hbm>> -> memref<1000000x64xf32, #tpu.memory_space<hbm>>
    tpu.enqueue_indirect_dma source(%dma_start3A_13 : memref<1000000x64xf32, #tpu.memory_space<hbm>>) target(%dma_start3A_8 : memref<400x64xf32, #tpu.memory_space<vmem>>) offsets(%dma_start3A_10 : memref<400xi32, #tpu.memory_space<vmem>>) semaphore(%arg7 : memref<!tpu.dma_semaphore, #tpu.memory_space<semaphore_mem>>)
    %dma_start3A_14 = arith.constant 1 : i32
    %dma_start3A_15 = arith.constant 0 : i32
    %dma_start3A_16 = arith.constant 0 : i32
    %dma_start3A_17 = tpu.memref_slice %arg6[%dma_start3A_14, %dma_start3A_15, %dma_start3A_16] : memref<2x400x64xf32, #tpu.memory_space<vmem>> -> memref<1x400x64xf32, #tpu.memory_space<vmem>>
    %dma_start3A_18 = tpu.memref_squeeze %dma_start3A_17 : memref<1x400x64xf32, #tpu.memory_space<vmem>> -> memref<400x64xf32, #tpu.memory_space<vmem>>
    %dma_start3A_19 = arith.constant 400 : i32
    %dma_start3A_20 = tpu.memref_slice %arg5[%dma_start3A_19] : memref<25600xi32, #tpu.memory_space<vmem>> -> memref<400xi32, #tpu.memory_space<vmem>>
    %dma_start3A_21 = arith.constant 0 : i32
    %dma_start3A_22 = arith.constant 0 : i32
    %dma_start3A_23 = tpu.memref_slice %arg2[%dma_start3A_21, %dma_start3A_22] : memref<1000000x64xf32, #tpu.memory_space<hbm>> -> memref<1000000x64xf32, #tpu.memory_space<hbm>>
    tpu.enqueue_indirect_dma source(%dma_start3A_23 : memref<1000000x64xf32, #tpu.memory_space<hbm>>) target(%dma_start3A_18 : memref<400x64xf32, #tpu.memory_space<vmem>>) offsets(%dma_start3A_20 : memref<400xi32, #tpu.memory_space<vmem>>) semaphore(%arg8 : memref<!tpu.dma_semaphore, #tpu.memory_space<semaphore_mem>>)
    %scan3A = arith.constant 0 : i32
    %scan3A_24 = arith.constant 32 : i32
    %scan3A_25 = arith.addi %scan3A, %scan3A_24 : i32
    %scan3A_26 = arith.constant 1 : i32
    scf.for %scan3A_363 = %scan3A to %scan3A_25 step %scan3A_26  : i32 {
      %mul3A_364 = arith.constant 2 : i32
      %mul3A_365 = arith.muli %scan3A_363, %mul3A_364 : i32
      %add3A_366 = arith.constant 0 : i32
      %add3A_367 = arith.addi %add3A_366, %mul3A_365 : i32
      %add3A_368 = arith.constant 0 : i32
      %add3A_369 = arith.addi %add3A_367, %add3A_368 : i32
      %mul3A_370 = arith.constant 400 : i32
      %mul3A_371 = arith.muli %add3A_369, %mul3A_370 : i32
      %dma_wait3A_372 = arith.constant 0 : i32
      %dma_wait3A_373 = arith.constant 0 : i32
      %dma_wait3A_374 = arith.constant 0 : i32
      %dma_wait3A_375 = tpu.memref_slice %arg6[%dma_wait3A_372, %dma_wait3A_373, %dma_wait3A_374] : memref<2x400x64xf32, #tpu.memory_space<vmem>> -> memref<1x400x64xf32, #tpu.memory_space<vmem>>
      %dma_wait3A_376 = tpu.memref_squeeze %dma_wait3A_375 : memref<1x400x64xf32, #tpu.memory_space<vmem>> -> memref<400x64xf32, #tpu.memory_space<vmem>>
      %dma_wait3A_377 = tpu.memref_slice %arg5[%mul3A_371] : memref<25600xi32, #tpu.memory_space<vmem>> -> memref<400xi32, #tpu.memory_space<vmem>>
      %dma_wait3A_378 = arith.constant 0 : i32
      %dma_wait3A_379 = arith.constant 0 : i32
      %dma_wait3A_380 = tpu.memref_slice %arg2[%dma_wait3A_378, %dma_wait3A_379] : memref<1000000x64xf32, #tpu.memory_space<hbm>> -> memref<1000000x64xf32, #tpu.memory_space<hbm>>
      tpu.wait_indirect_dma semaphore(%arg7 : memref<!tpu.dma_semaphore, #tpu.memory_space<semaphore_mem>>) src(%dma_wait3A_380 : memref<1000000x64xf32, #tpu.memory_space<hbm>>) dst(%dma_wait3A_376 : memref<400x64xf32, #tpu.memory_space<vmem>>)
      %mul3A_381 = arith.constant 8 : i32
      %mul3A_382 = arith.muli %add3A_369, %mul3A_381 : i32
      %add3A_383 = arith.addi %mul3A_4, %mul3A_382 : i32
      %add3A_384 = arith.constant 0 : i32
      %add3A_385 = arith.addi %add3A_383, %add3A_384 : i32
      %dma_start3A_386 = arith.constant 0 : i32
      %dma_start3A_387 = arith.constant 0 : i32
      %dma_start3A_388 = arith.constant 0 : i32
      %dma_start3A_389 = tpu.memref_slice %arg6[%dma_start3A_386, %dma_start3A_387, %dma_start3A_388] : memref<2x400x64xf32, #tpu.memory_space<vmem>> -> memref<1x50x64xf32, #tpu.memory_space<vmem>>
      %dma_start3A_390 = tpu.memref_squeeze %dma_start3A_389 : memref<1x50x64xf32, #tpu.memory_space<vmem>> -> memref<50x64xf32, #tpu.memory_space<vmem>>
      %dma_start3A_391 = arith.constant 0 : i32
      %dma_start3A_392 = arith.constant 0 : i32
      %dma_start3A_393 = tpu.memref_slice %arg4[%add3A_385, %dma_start3A_391, %dma_start3A_392] : memref<16384x50x64xf32, #tpu.memory_space<hbm>> -> memref<1x50x64xf32, #tpu.memory_space<hbm>>
      %dma_start3A_394 = tpu.memref_squeeze %dma_start3A_393 : memref<1x50x64xf32, #tpu.memory_space<hbm>> -> memref<50x64xf32, #tpu.memory_space<hbm>>
      %dma_start3A_395 = arith.constant 0 : i32
      %dma_start3A_396 = arith.constant 0 : i32
      %dma_start3A_397 = tpu.memref_slice %arg4[%add3A_385, %dma_start3A_395, %dma_start3A_396] : memref<16384x50x64xf32, #tpu.memory_space<hbm>> -> memref<1x50x64xf32, #tpu.memory_space<hbm>>
      %dma_start3A_398 = tpu.memref_squeeze %dma_start3A_397 : memref<1x50x64xf32, #tpu.memory_space<hbm>> -> memref<50x64xf32, #tpu.memory_space<hbm>>
      %dma_start3A_399 = arith.constant 0 : i32
      %dma_start3A_400 = arith.constant 0 : i32
      %dma_start3A_401 = tpu.memref_slice %arg6[%dma_start3A_386, %dma_start3A_399, %dma_start3A_400] : memref<2x400x64xf32, #tpu.memory_space<vmem>> -> memref<1x50x64xf32, #tpu.memory_space<vmem>>
      %dma_start3A_402 = tpu.memref_squeeze %dma_start3A_401 : memref<1x50x64xf32, #tpu.memory_space<vmem>> -> memref<50x64xf32, #tpu.memory_space<vmem>>
      tpu.enqueue_dma source(%dma_start3A_402 : memref<50x64xf32, #tpu.memory_space<vmem>>) target(%dma_start3A_398 : memref<50x64xf32, #tpu.memory_space<hbm>>) target_semaphore(%arg9 : memref<!tpu.dma_semaphore, #tpu.memory_space<semaphore_mem>>)
      %mul3A_403 = arith.constant 8 : i32
      %mul3A_404 = arith.muli %add3A_369, %mul3A_403 : i32
      %add3A_405 = arith.addi %mul3A_4, %mul3A_404 : i32
      %add3A_406 = arith.constant 1 : i32
      %add3A_407 = arith.addi %add3A_405, %add3A_406 : i32
      %dma_start3A_408 = arith.constant 0 : i32
      %dma_start3A_409 = arith.constant 50 : i32
      %dma_start3A_410 = arith.constant 0 : i32
      %dma_start3A_411 = tpu.memref_slice %arg6[%dma_start3A_408, %dma_start3A_409, %dma_start3A_410] : memref<2x400x64xf32, #tpu.memory_space<vmem>> -> memref<1x50x64xf32, #tpu.memory_space<vmem>>
      %dma_start3A_412 = tpu.memref_squeeze %dma_start3A_411 : memref<1x50x64xf32, #tpu.memory_space<vmem>> -> memref<50x64xf32, #tpu.memory_space<vmem>>
      %dma_start3A_413 = arith.constant 0 : i32
      %dma_start3A_414 = arith.constant 0 : i32
      %dma_start3A_415 = tpu.memref_slice %arg4[%add3A_407, %dma_start3A_413, %dma_start3A_414] : memref<16384x50x64xf32, #tpu.memory_space<hbm>> -> memref<1x50x64xf32, #tpu.memory_space<hbm>>
      %dma_start3A_416 = tpu.memref_squeeze %dma_start3A_415 : memref<1x50x64xf32, #tpu.memory_space<hbm>> -> memref<50x64xf32, #tpu.memory_space<hbm>>
      %dma_start3A_417 = arith.constant 0 : i32
      %dma_start3A_418 = arith.constant 0 : i32
      %dma_start3A_419 = tpu.memref_slice %arg4[%add3A_407, %dma_start3A_417, %dma_start3A_418] : memref<16384x50x64xf32, #tpu.memory_space<hbm>> -> memref<1x50x64xf32, #tpu.memory_space<hbm>>
      %dma_start3A_420 = tpu.memref_squeeze %dma_start3A_419 : memref<1x50x64xf32, #tpu.memory_space<hbm>> -> memref<50x64xf32, #tpu.memory_space<hbm>>
      %dma_start3A_421 = arith.constant 50 : i32
      %dma_start3A_422 = arith.constant 0 : i32
      %dma_start3A_423 = tpu.memref_slice %arg6[%dma_start3A_408, %dma_start3A_421, %dma_start3A_422] : memref<2x400x64xf32, #tpu.memory_space<vmem>> -> memref<1x50x64xf32, #tpu.memory_space<vmem>>
      %dma_start3A_424 = tpu.memref_squeeze %dma_start3A_423 : memref<1x50x64xf32, #tpu.memory_space<vmem>> -> memref<50x64xf32, #tpu.memory_space<vmem>>
      tpu.enqueue_dma source(%dma_start3A_424 : memref<50x64xf32, #tpu.memory_space<vmem>>) target(%dma_start3A_420 : memref<50x64xf32, #tpu.memory_space<hbm>>) target_semaphore(%arg9 : memref<!tpu.dma_semaphore, #tpu.memory_space<semaphore_mem>>)
      %mul3A_425 = arith.constant 8 : i32
      %mul3A_426 = arith.muli %add3A_369, %mul3A_425 : i32
      %add3A_427 = arith.addi %mul3A_4, %mul3A_426 : i32
      %add3A_428 = arith.constant 2 : i32
      %add3A_429 = arith.addi %add3A_427, %add3A_428 : i32
      %dma_start3A_430 = arith.constant 0 : i32
      %dma_start3A_431 = arith.constant 100 : i32
      %dma_start3A_432 = arith.constant 0 : i32
      %dma_start3A_433 = tpu.memref_slice %arg6[%dma_start3A_430, %dma_start3A_431, %dma_start3A_432] : memref<2x400x64xf32, #tpu.memory_space<vmem>> -> memref<1x50x64xf32, #tpu.memory_space<vmem>>
      %dma_start3A_434 = tpu.memref_squeeze %dma_start3A_433 : memref<1x50x64xf32, #tpu.memory_space<vmem>> -> memref<50x64xf32, #tpu.memory_space<vmem>>
      %dma_start3A_435 = arith.constant 0 : i32
      %dma_start3A_436 = arith.constant 0 : i32
      %dma_start3A_437 = tpu.memref_slice %arg4[%add3A_429, %dma_start3A_435, %dma_start3A_436] : memref<16384x50x64xf32, #tpu.memory_space<hbm>> -> memref<1x50x64xf32, #tpu.memory_space<hbm>>
      %dma_start3A_438 = tpu.memref_squeeze %dma_start3A_437 : memref<1x50x64xf32, #tpu.memory_space<hbm>> -> memref<50x64xf32, #tpu.memory_space<hbm>>
      %dma_start3A_439 = arith.constant 0 : i32
      %dma_start3A_440 = arith.constant 0 : i32
      %dma_start3A_441 = tpu.memref_slice %arg4[%add3A_429, %dma_start3A_439, %dma_start3A_440] : memref<16384x50x64xf32, #tpu.memory_space<hbm>> -> memref<1x50x64xf32, #tpu.memory_space<hbm>>
      %dma_start3A_442 = tpu.memref_squeeze %dma_start3A_441 : memref<1x50x64xf32, #tpu.memory_space<hbm>> -> memref<50x64xf32, #tpu.memory_space<hbm>>
      %dma_start3A_443 = arith.constant 100 : i32
      %dma_start3A_444 = arith.constant 0 : i32
      %dma_start3A_445 = tpu.memref_slice %arg6[%dma_start3A_430, %dma_start3A_443, %dma_start3A_444] : memref<2x400x64xf32, #tpu.memory_space<vmem>> -> memref<1x50x64xf32, #tpu.memory_space<vmem>>
      %dma_start3A_446 = tpu.memref_squeeze %dma_start3A_445 : memref<1x50x64xf32, #tpu.memory_space<vmem>> -> memref<50x64xf32, #tpu.memory_space<vmem>>
      tpu.enqueue_dma source(%dma_start3A_446 : memref<50x64xf32, #tpu.memory_space<vmem>>) target(%dma_start3A_442 : memref<50x64xf32, #tpu.memory_space<hbm>>) target_semaphore(%arg9 : memref<!tpu.dma_semaphore, #tpu.memory_space<semaphore_mem>>)
      %mul3A_447 = arith.constant 8 : i32
      %mul3A_448 = arith.muli %add3A_369, %mul3A_447 : i32
      %add3A_449 = arith.addi %mul3A_4, %mul3A_448 : i32
      %add3A_450 = arith.constant 3 : i32
      %add3A_451 = arith.addi %add3A_449, %add3A_450 : i32
      %dma_start3A_452 = arith.constant 0 : i32
      %dma_start3A_453 = arith.constant 150 : i32
      %dma_start3A_454 = arith.constant 0 : i32
      %dma_start3A_455 = tpu.memref_slice %arg6[%dma_start3A_452, %dma_start3A_453, %dma_start3A_454] : memref<2x400x64xf32, #tpu.memory_space<vmem>> -> memref<1x50x64xf32, #tpu.memory_space<vmem>>
      %dma_start3A_456 = tpu.memref_squeeze %dma_start3A_455 : memref<1x50x64xf32, #tpu.memory_space<vmem>> -> memref<50x64xf32, #tpu.memory_space<vmem>>
      %dma_start3A_457 = arith.constant 0 : i32
      %dma_start3A_458 = arith.constant 0 : i32
      %dma_start3A_459 = tpu.memref_slice %arg4[%add3A_451, %dma_start3A_457, %dma_start3A_458] : memref<16384x50x64xf32, #tpu.memory_space<hbm>> -> memref<1x50x64xf32, #tpu.memory_space<hbm>>
      %dma_start3A_460 = tpu.memref_squeeze %dma_start3A_459 : memref<1x50x64xf32, #tpu.memory_space<hbm>> -> memref<50x64xf32, #tpu.memory_space<hbm>>
      %dma_start3A_461 = arith.constant 0 : i32
      %dma_start3A_462 = arith.constant 0 : i32
      %dma_start3A_463 = tpu.memref_slice %arg4[%add3A_451, %dma_start3A_461, %dma_start3A_462] : memref<16384x50x64xf32, #tpu.memory_space<hbm>> -> memref<1x50x64xf32, #tpu.memory_space<hbm>>
      %dma_start3A_464 = tpu.memref_squeeze %dma_start3A_463 : memref<1x50x64xf32, #tpu.memory_space<hbm>> -> memref<50x64xf32, #tpu.memory_space<hbm>>
      %dma_start3A_465 = arith.constant 150 : i32
      %dma_start3A_466 = arith.constant 0 : i32
      %dma_start3A_467 = tpu.memref_slice %arg6[%dma_start3A_452, %dma_start3A_465, %dma_start3A_466] : memref<2x400x64xf32, #tpu.memory_space<vmem>> -> memref<1x50x64xf32, #tpu.memory_space<vmem>>
      %dma_start3A_468 = tpu.memref_squeeze %dma_start3A_467 : memref<1x50x64xf32, #tpu.memory_space<vmem>> -> memref<50x64xf32, #tpu.memory_space<vmem>>
      tpu.enqueue_dma source(%dma_start3A_468 : memref<50x64xf32, #tpu.memory_space<vmem>>) target(%dma_start3A_464 : memref<50x64xf32, #tpu.memory_space<hbm>>) target_semaphore(%arg9 : memref<!tpu.dma_semaphore, #tpu.memory_space<semaphore_mem>>)
      %mul3A_469 = arith.constant 8 : i32
      %mul3A_470 = arith.muli %add3A_369, %mul3A_469 : i32
      %add3A_471 = arith.addi %mul3A_4, %mul3A_470 : i32
      %add3A_472 = arith.constant 4 : i32
      %add3A_473 = arith.addi %add3A_471, %add3A_472 : i32
      %dma_start3A_474 = arith.constant 0 : i32
      %dma_start3A_475 = arith.constant 200 : i32
      %dma_start3A_476 = arith.constant 0 : i32
      %dma_start3A_477 = tpu.memref_slice %arg6[%dma_start3A_474, %dma_start3A_475, %dma_start3A_476] : memref<2x400x64xf32, #tpu.memory_space<vmem>> -> memref<1x50x64xf32, #tpu.memory_space<vmem>>
      %dma_start3A_478 = tpu.memref_squeeze %dma_start3A_477 : memref<1x50x64xf32, #tpu.memory_space<vmem>> -> memref<50x64xf32, #tpu.memory_space<vmem>>
      %dma_start3A_479 = arith.constant 0 : i32
      %dma_start3A_480 = arith.constant 0 : i32
      %dma_start3A_481 = tpu.memref_slice %arg4[%add3A_473, %dma_start3A_479, %dma_start3A_480] : memref<16384x50x64xf32, #tpu.memory_space<hbm>> -> memref<1x50x64xf32, #tpu.memory_space<hbm>>
      %dma_start3A_482 = tpu.memref_squeeze %dma_start3A_481 : memref<1x50x64xf32, #tpu.memory_space<hbm>> -> memref<50x64xf32, #tpu.memory_space<hbm>>
      %dma_start3A_483 = arith.constant 0 : i32
      %dma_start3A_484 = arith.constant 0 : i32
      %dma_start3A_485 = tpu.memref_slice %arg4[%add3A_473, %dma_start3A_483, %dma_start3A_484] : memref<16384x50x64xf32, #tpu.memory_space<hbm>> -> memref<1x50x64xf32, #tpu.memory_space<hbm>>
      %dma_start3A_486 = tpu.memref_squeeze %dma_start3A_485 : memref<1x50x64xf32, #tpu.memory_space<hbm>> -> memref<50x64xf32, #tpu.memory_space<hbm>>
      %dma_start3A_487 = arith.constant 200 : i32
      %dma_start3A_488 = arith.constant 0 : i32
      %dma_start3A_489 = tpu.memref_slice %arg6[%dma_start3A_474, %dma_start3A_487, %dma_start3A_488] : memref<2x400x64xf32, #tpu.memory_space<vmem>> -> memref<1x50x64xf32, #tpu.memory_space<vmem>>
      %dma_start3A_490 = tpu.memref_squeeze %dma_start3A_489 : memref<1x50x64xf32, #tpu.memory_space<vmem>> -> memref<50x64xf32, #tpu.memory_space<vmem>>
      tpu.enqueue_dma source(%dma_start3A_490 : memref<50x64xf32, #tpu.memory_space<vmem>>) target(%dma_start3A_486 : memref<50x64xf32, #tpu.memory_space<hbm>>) target_semaphore(%arg9 : memref<!tpu.dma_semaphore, #tpu.memory_space<semaphore_mem>>)
      %mul3A_491 = arith.constant 8 : i32
      %mul3A_492 = arith.muli %add3A_369, %mul3A_491 : i32
      %add3A_493 = arith.addi %mul3A_4, %mul3A_492 : i32
      %add3A_494 = arith.constant 5 : i32
      %add3A_495 = arith.addi %add3A_493, %add3A_494 : i32
      %dma_start3A_496 = arith.constant 0 : i32
      %dma_start3A_497 = arith.constant 250 : i32
      %dma_start3A_498 = arith.constant 0 : i32
      %dma_start3A_499 = tpu.memref_slice %arg6[%dma_start3A_496, %dma_start3A_497, %dma_start3A_498] : memref<2x400x64xf32, #tpu.memory_space<vmem>> -> memref<1x50x64xf32, #tpu.memory_space<vmem>>
      %dma_start3A_500 = tpu.memref_squeeze %dma_start3A_499 : memref<1x50x64xf32, #tpu.memory_space<vmem>> -> memref<50x64xf32, #tpu.memory_space<vmem>>
      %dma_start3A_501 = arith.constant 0 : i32
      %dma_start3A_502 = arith.constant 0 : i32
      %dma_start3A_503 = tpu.memref_slice %arg4[%add3A_495, %dma_start3A_501, %dma_start3A_502] : memref<16384x50x64xf32, #tpu.memory_space<hbm>> -> memref<1x50x64xf32, #tpu.memory_space<hbm>>
      %dma_start3A_504 = tpu.memref_squeeze %dma_start3A_503 : memref<1x50x64xf32, #tpu.memory_space<hbm>> -> memref<50x64xf32, #tpu.memory_space<hbm>>
      %dma_start3A_505 = arith.constant 0 : i32
      %dma_start3A_506 = arith.constant 0 : i32
      %dma_start3A_507 = tpu.memref_slice %arg4[%add3A_495, %dma_start3A_505, %dma_start3A_506] : memref<16384x50x64xf32, #tpu.memory_space<hbm>> -> memref<1x50x64xf32, #tpu.memory_space<hbm>>
      %dma_start3A_508 = tpu.memref_squeeze %dma_start3A_507 : memref<1x50x64xf32, #tpu.memory_space<hbm>> -> memref<50x64xf32, #tpu.memory_space<hbm>>
      %dma_start3A_509 = arith.constant 250 : i32
      %dma_start3A_510 = arith.constant 0 : i32
      %dma_start3A_511 = tpu.memref_slice %arg6[%dma_start3A_496, %dma_start3A_509, %dma_start3A_510] : memref<2x400x64xf32, #tpu.memory_space<vmem>> -> memref<1x50x64xf32, #tpu.memory_space<vmem>>
      %dma_start3A_512 = tpu.memref_squeeze %dma_start3A_511 : memref<1x50x64xf32, #tpu.memory_space<vmem>> -> memref<50x64xf32, #tpu.memory_space<vmem>>
      tpu.enqueue_dma source(%dma_start3A_512 : memref<50x64xf32, #tpu.memory_space<vmem>>) target(%dma_start3A_508 : memref<50x64xf32, #tpu.memory_space<hbm>>) target_semaphore(%arg9 : memref<!tpu.dma_semaphore, #tpu.memory_space<semaphore_mem>>)
      %mul3A_513 = arith.constant 8 : i32
      %mul3A_514 = arith.muli %add3A_369, %mul3A_513 : i32
      %add3A_515 = arith.addi %mul3A_4, %mul3A_514 : i32
      %add3A_516 = arith.constant 6 : i32
      %add3A_517 = arith.addi %add3A_515, %add3A_516 : i32
      %dma_start3A_518 = arith.constant 0 : i32
      %dma_start3A_519 = arith.constant 300 : i32
      %dma_start3A_520 = arith.constant 0 : i32
      %dma_start3A_521 = tpu.memref_slice %arg6[%dma_start3A_518, %dma_start3A_519, %dma_start3A_520] : memref<2x400x64xf32, #tpu.memory_space<vmem>> -> memref<1x50x64xf32, #tpu.memory_space<vmem>>
      %dma_start3A_522 = tpu.memref_squeeze %dma_start3A_521 : memref<1x50x64xf32, #tpu.memory_space<vmem>> -> memref<50x64xf32, #tpu.memory_space<vmem>>
      %dma_start3A_523 = arith.constant 0 : i32
      %dma_start3A_524 = arith.constant 0 : i32
      %dma_start3A_525 = tpu.memref_slice %arg4[%add3A_517, %dma_start3A_523, %dma_start3A_524] : memref<16384x50x64xf32, #tpu.memory_space<hbm>> -> memref<1x50x64xf32, #tpu.memory_space<hbm>>
      %dma_start3A_526 = tpu.memref_squeeze %dma_start3A_525 : memref<1x50x64xf32, #tpu.memory_space<hbm>> -> memref<50x64xf32, #tpu.memory_space<hbm>>
      %dma_start3A_527 = arith.constant 0 : i32
      %dma_start3A_528 = arith.constant 0 : i32
      %dma_start3A_529 = tpu.memref_slice %arg4[%add3A_517, %dma_start3A_527, %dma_start3A_528] : memref<16384x50x64xf32, #tpu.memory_space<hbm>> -> memref<1x50x64xf32, #tpu.memory_space<hbm>>
      %dma_start3A_530 = tpu.memref_squeeze %dma_start3A_529 : memref<1x50x64xf32, #tpu.memory_space<hbm>> -> memref<50x64xf32, #tpu.memory_space<hbm>>
      %dma_start3A_531 = arith.constant 300 : i32
      %dma_start3A_532 = arith.constant 0 : i32
      %dma_start3A_533 = tpu.memref_slice %arg6[%dma_start3A_518, %dma_start3A_531, %dma_start3A_532] : memref<2x400x64xf32, #tpu.memory_space<vmem>> -> memref<1x50x64xf32, #tpu.memory_space<vmem>>
      %dma_start3A_534 = tpu.memref_squeeze %dma_start3A_533 : memref<1x50x64xf32, #tpu.memory_space<vmem>> -> memref<50x64xf32, #tpu.memory_space<vmem>>
      tpu.enqueue_dma source(%dma_start3A_534 : memref<50x64xf32, #tpu.memory_space<vmem>>) target(%dma_start3A_530 : memref<50x64xf32, #tpu.memory_space<hbm>>) target_semaphore(%arg9 : memref<!tpu.dma_semaphore, #tpu.memory_space<semaphore_mem>>)
      %mul3A_535 = arith.constant 8 : i32
      %mul3A_536 = arith.muli %add3A_369, %mul3A_535 : i32
      %add3A_537 = arith.addi %mul3A_4, %mul3A_536 : i32
      %add3A_538 = arith.constant 7 : i32
      %add3A_539 = arith.addi %add3A_537, %add3A_538 : i32
      %dma_start3A_540 = arith.constant 0 : i32
      %dma_start3A_541 = arith.constant 350 : i32
      %dma_start3A_542 = arith.constant 0 : i32
      %dma_start3A_543 = tpu.memref_slice %arg6[%dma_start3A_540, %dma_start3A_541, %dma_start3A_542] : memref<2x400x64xf32, #tpu.memory_space<vmem>> -> memref<1x50x64xf32, #tpu.memory_space<vmem>>
      %dma_start3A_544 = tpu.memref_squeeze %dma_start3A_543 : memref<1x50x64xf32, #tpu.memory_space<vmem>> -> memref<50x64xf32, #tpu.memory_space<vmem>>
      %dma_start3A_545 = arith.constant 0 : i32
      %dma_start3A_546 = arith.constant 0 : i32
      %dma_start3A_547 = tpu.memref_slice %arg4[%add3A_539, %dma_start3A_545, %dma_start3A_546] : memref<16384x50x64xf32, #tpu.memory_space<hbm>> -> memref<1x50x64xf32, #tpu.memory_space<hbm>>
      %dma_start3A_548 = tpu.memref_squeeze %dma_start3A_547 : memref<1x50x64xf32, #tpu.memory_space<hbm>> -> memref<50x64xf32, #tpu.memory_space<hbm>>
      %dma_start3A_549 = arith.constant 0 : i32
      %dma_start3A_550 = arith.constant 0 : i32
      %dma_start3A_551 = tpu.memref_slice %arg4[%add3A_539, %dma_start3A_549, %dma_start3A_550] : memref<16384x50x64xf32, #tpu.memory_space<hbm>> -> memref<1x50x64xf32, #tpu.memory_space<hbm>>
      %dma_start3A_552 = tpu.memref_squeeze %dma_start3A_551 : memref<1x50x64xf32, #tpu.memory_space<hbm>> -> memref<50x64xf32, #tpu.memory_space<hbm>>
      %dma_start3A_553 = arith.constant 350 : i32
      %dma_start3A_554 = arith.constant 0 : i32
      %dma_start3A_555 = tpu.memref_slice %arg6[%dma_start3A_540, %dma_start3A_553, %dma_start3A_554] : memref<2x400x64xf32, #tpu.memory_space<vmem>> -> memref<1x50x64xf32, #tpu.memory_space<vmem>>
      %dma_start3A_556 = tpu.memref_squeeze %dma_start3A_555 : memref<1x50x64xf32, #tpu.memory_space<vmem>> -> memref<50x64xf32, #tpu.memory_space<vmem>>
      tpu.enqueue_dma source(%dma_start3A_556 : memref<50x64xf32, #tpu.memory_space<vmem>>) target(%dma_start3A_552 : memref<50x64xf32, #tpu.memory_space<hbm>>) target_semaphore(%arg9 : memref<!tpu.dma_semaphore, #tpu.memory_space<semaphore_mem>>)
      %add3A_557 = arith.constant 2 : i32
      %add3A_558 = arith.addi %add3A_369, %add3A_557 : i32
      %lt3A = arith.constant 64 : i32
      %lt3A_559 = arith.cmpi slt, %add3A_558, %lt3A : i32
      %convert_element_type3A = arith.extui %lt3A_559 : i1 to i32
      %cond3A = arith.constant 0 : i32
      %cond3A_560 = arith.cmpi ne, %convert_element_type3A, %cond3A : i32
      scf.if %cond3A_560 {
        %mul3A_757 = arith.constant 8 : i32
        %mul3A_758 = arith.muli %add3A_369, %mul3A_757 : i32
        %add3A_759 = arith.addi %mul3A_4, %mul3A_758 : i32
        %add3A_760 = arith.constant 0 : i32
        %add3A_761 = arith.addi %add3A_759, %add3A_760 : i32
        %dma_wait3A_762 = arith.constant 0 : i32
        %dma_wait3A_763 = arith.constant 0 : i32
        %dma_wait3A_764 = arith.constant 0 : i32
        %dma_wait3A_765 = tpu.memref_slice %arg6[%dma_wait3A_762, %dma_wait3A_763, %dma_wait3A_764] : memref<2x400x64xf32, #tpu.memory_space<vmem>> -> memref<1x50x64xf32, #tpu.memory_space<vmem>>
        %dma_wait3A_766 = tpu.memref_squeeze %dma_wait3A_765 : memref<1x50x64xf32, #tpu.memory_space<vmem>> -> memref<50x64xf32, #tpu.memory_space<vmem>>
        %dma_wait3A_767 = arith.constant 0 : i32
        %dma_wait3A_768 = arith.constant 0 : i32
        %dma_wait3A_769 = tpu.memref_slice %arg4[%add3A_761, %dma_wait3A_767, %dma_wait3A_768] : memref<16384x50x64xf32, #tpu.memory_space<hbm>> -> memref<1x50x64xf32, #tpu.memory_space<hbm>>
        %dma_wait3A_770 = tpu.memref_squeeze %dma_wait3A_769 : memref<1x50x64xf32, #tpu.memory_space<hbm>> -> memref<50x64xf32, #tpu.memory_space<hbm>>
        %dma_wait3A_771 = arith.constant 0 : i32
        %dma_wait3A_772 = arith.constant 0 : i32
        %dma_wait3A_773 = tpu.memref_slice %arg4[%add3A_761, %dma_wait3A_771, %dma_wait3A_772] : memref<16384x50x64xf32, #tpu.memory_space<hbm>> -> memref<1x50x64xf32, #tpu.memory_space<hbm>>
        %dma_wait3A_774 = tpu.memref_squeeze %dma_wait3A_773 : memref<1x50x64xf32, #tpu.memory_space<hbm>> -> memref<50x64xf32, #tpu.memory_space<hbm>>
        %dma_wait3A_775 = arith.constant 0 : i32
        %dma_wait3A_776 = arith.constant 0 : i32
        %dma_wait3A_777 = tpu.memref_slice %arg6[%dma_wait3A_762, %dma_wait3A_775, %dma_wait3A_776] : memref<2x400x64xf32, #tpu.memory_space<vmem>> -> memref<1x50x64xf32, #tpu.memory_space<vmem>>
        %dma_wait3A_778 = tpu.memref_squeeze %dma_wait3A_777 : memref<1x50x64xf32, #tpu.memory_space<vmem>> -> memref<50x64xf32, #tpu.memory_space<vmem>>
        tpu.wait_dma2 semaphore(%arg9 : memref<!tpu.dma_semaphore, #tpu.memory_space<semaphore_mem>>) src(%dma_wait3A_778 : memref<50x64xf32, #tpu.memory_space<vmem>>) dst(%dma_wait3A_774 : memref<50x64xf32, #tpu.memory_space<hbm>>)
        %mul3A_779 = arith.constant 8 : i32
        %mul3A_780 = arith.muli %add3A_369, %mul3A_779 : i32
        %add3A_781 = arith.addi %mul3A_4, %mul3A_780 : i32
        %add3A_782 = arith.constant 1 : i32
        %add3A_783 = arith.addi %add3A_781, %add3A_782 : i32
        %dma_wait3A_784 = arith.constant 0 : i32
        %dma_wait3A_785 = arith.constant 50 : i32
        %dma_wait3A_786 = arith.constant 0 : i32
        %dma_wait3A_787 = tpu.memref_slice %arg6[%dma_wait3A_784, %dma_wait3A_785, %dma_wait3A_786] : memref<2x400x64xf32, #tpu.memory_space<vmem>> -> memref<1x50x64xf32, #tpu.memory_space<vmem>>
        %dma_wait3A_788 = tpu.memref_squeeze %dma_wait3A_787 : memref<1x50x64xf32, #tpu.memory_space<vmem>> -> memref<50x64xf32, #tpu.memory_space<vmem>>
        %dma_wait3A_789 = arith.constant 0 : i32
        %dma_wait3A_790 = arith.constant 0 : i32
        %dma_wait3A_791 = tpu.memref_slice %arg4[%add3A_783, %dma_wait3A_789, %dma_wait3A_790] : memref<16384x50x64xf32, #tpu.memory_space<hbm>> -> memref<1x50x64xf32, #tpu.memory_space<hbm>>
        %dma_wait3A_792 = tpu.memref_squeeze %dma_wait3A_791 : memref<1x50x64xf32, #tpu.memory_space<hbm>> -> memref<50x64xf32, #tpu.memory_space<hbm>>
        %dma_wait3A_793 = arith.constant 0 : i32
        %dma_wait3A_794 = arith.constant 0 : i32
        %dma_wait3A_795 = tpu.memref_slice %arg4[%add3A_783, %dma_wait3A_793, %dma_wait3A_794] : memref<16384x50x64xf32, #tpu.memory_space<hbm>> -> memref<1x50x64xf32, #tpu.memory_space<hbm>>
        %dma_wait3A_796 = tpu.memref_squeeze %dma_wait3A_795 : memref<1x50x64xf32, #tpu.memory_space<hbm>> -> memref<50x64xf32, #tpu.memory_space<hbm>>
        %dma_wait3A_797 = arith.constant 50 : i32
        %dma_wait3A_798 = arith.constant 0 : i32
        %dma_wait3A_799 = tpu.memref_slice %arg6[%dma_wait3A_784, %dma_wait3A_797, %dma_wait3A_798] : memref<2x400x64xf32, #tpu.memory_space<vmem>> -> memref<1x50x64xf32, #tpu.memory_space<vmem>>
        %dma_wait3A_800 = tpu.memref_squeeze %dma_wait3A_799 : memref<1x50x64xf32, #tpu.memory_space<vmem>> -> memref<50x64xf32, #tpu.memory_space<vmem>>
        tpu.wait_dma2 semaphore(%arg9 : memref<!tpu.dma_semaphore, #tpu.memory_space<semaphore_mem>>) src(%dma_wait3A_800 : memref<50x64xf32, #tpu.memory_space<vmem>>) dst(%dma_wait3A_796 : memref<50x64xf32, #tpu.memory_space<hbm>>)
        %mul3A_801 = arith.constant 8 : i32
        %mul3A_802 = arith.muli %add3A_369, %mul3A_801 : i32
        %add3A_803 = arith.addi %mul3A_4, %mul3A_802 : i32
        %add3A_804 = arith.constant 2 : i32
        %add3A_805 = arith.addi %add3A_803, %add3A_804 : i32
        %dma_wait3A_806 = arith.constant 0 : i32
        %dma_wait3A_807 = arith.constant 100 : i32
        %dma_wait3A_808 = arith.constant 0 : i32
        %dma_wait3A_809 = tpu.memref_slice %arg6[%dma_wait3A_806, %dma_wait3A_807, %dma_wait3A_808] : memref<2x400x64xf32, #tpu.memory_space<vmem>> -> memref<1x50x64xf32, #tpu.memory_space<vmem>>
        %dma_wait3A_810 = tpu.memref_squeeze %dma_wait3A_809 : memref<1x50x64xf32, #tpu.memory_space<vmem>> -> memref<50x64xf32, #tpu.memory_space<vmem>>
        %dma_wait3A_811 = arith.constant 0 : i32
        %dma_wait3A_812 = arith.constant 0 : i32
        %dma_wait3A_813 = tpu.memref_slice %arg4[%add3A_805, %dma_wait3A_811, %dma_wait3A_812] : memref<16384x50x64xf32, #tpu.memory_space<hbm>> -> memref<1x50x64xf32, #tpu.memory_space<hbm>>
        %dma_wait3A_814 = tpu.memref_squeeze %dma_wait3A_813 : memref<1x50x64xf32, #tpu.memory_space<hbm>> -> memref<50x64xf32, #tpu.memory_space<hbm>>
        %dma_wait3A_815 = arith.constant 0 : i32
        %dma_wait3A_816 = arith.constant 0 : i32
        %dma_wait3A_817 = tpu.memref_slice %arg4[%add3A_805, %dma_wait3A_815, %dma_wait3A_816] : memref<16384x50x64xf32, #tpu.memory_space<hbm>> -> memref<1x50x64xf32, #tpu.memory_space<hbm>>
        %dma_wait3A_818 = tpu.memref_squeeze %dma_wait3A_817 : memref<1x50x64xf32, #tpu.memory_space<hbm>> -> memref<50x64xf32, #tpu.memory_space<hbm>>
        %dma_wait3A_819 = arith.constant 100 : i32
        %dma_wait3A_820 = arith.constant 0 : i32
        %dma_wait3A_821 = tpu.memref_slice %arg6[%dma_wait3A_806, %dma_wait3A_819, %dma_wait3A_820] : memref<2x400x64xf32, #tpu.memory_space<vmem>> -> memref<1x50x64xf32, #tpu.memory_space<vmem>>
        %dma_wait3A_822 = tpu.memref_squeeze %dma_wait3A_821 : memref<1x50x64xf32, #tpu.memory_space<vmem>> -> memref<50x64xf32, #tpu.memory_space<vmem>>
        tpu.wait_dma2 semaphore(%arg9 : memref<!tpu.dma_semaphore, #tpu.memory_space<semaphore_mem>>) src(%dma_wait3A_822 : memref<50x64xf32, #tpu.memory_space<vmem>>) dst(%dma_wait3A_818 : memref<50x64xf32, #tpu.memory_space<hbm>>)
        %mul3A_823 = arith.constant 8 : i32
        %mul3A_824 = arith.muli %add3A_369, %mul3A_823 : i32
        %add3A_825 = arith.addi %mul3A_4, %mul3A_824 : i32
        %add3A_826 = arith.constant 3 : i32
        %add3A_827 = arith.addi %add3A_825, %add3A_826 : i32
        %dma_wait3A_828 = arith.constant 0 : i32
        %dma_wait3A_829 = arith.constant 150 : i32
        %dma_wait3A_830 = arith.constant 0 : i32
        %dma_wait3A_831 = tpu.memref_slice %arg6[%dma_wait3A_828, %dma_wait3A_829, %dma_wait3A_830] : memref<2x400x64xf32, #tpu.memory_space<vmem>> -> memref<1x50x64xf32, #tpu.memory_space<vmem>>
        %dma_wait3A_832 = tpu.memref_squeeze %dma_wait3A_831 : memref<1x50x64xf32, #tpu.memory_space<vmem>> -> memref<50x64xf32, #tpu.memory_space<vmem>>
        %dma_wait3A_833 = arith.constant 0 : i32
        %dma_wait3A_834 = arith.constant 0 : i32
        %dma_wait3A_835 = tpu.memref_slice %arg4[%add3A_827, %dma_wait3A_833, %dma_wait3A_834] : memref<16384x50x64xf32, #tpu.memory_space<hbm>> -> memref<1x50x64xf32, #tpu.memory_space<hbm>>
        %dma_wait3A_836 = tpu.memref_squeeze %dma_wait3A_835 : memref<1x50x64xf32, #tpu.memory_space<hbm>> -> memref<50x64xf32, #tpu.memory_space<hbm>>
        %dma_wait3A_837 = arith.constant 0 : i32
        %dma_wait3A_838 = arith.constant 0 : i32
        %dma_wait3A_839 = tpu.memref_slice %arg4[%add3A_827, %dma_wait3A_837, %dma_wait3A_838] : memref<16384x50x64xf32, #tpu.memory_space<hbm>> -> memref<1x50x64xf32, #tpu.memory_space<hbm>>
        %dma_wait3A_840 = tpu.memref_squeeze %dma_wait3A_839 : memref<1x50x64xf32, #tpu.memory_space<hbm>> -> memref<50x64xf32, #tpu.memory_space<hbm>>
        %dma_wait3A_841 = arith.constant 150 : i32
        %dma_wait3A_842 = arith.constant 0 : i32
        %dma_wait3A_843 = tpu.memref_slice %arg6[%dma_wait3A_828, %dma_wait3A_841, %dma_wait3A_842] : memref<2x400x64xf32, #tpu.memory_space<vmem>> -> memref<1x50x64xf32, #tpu.memory_space<vmem>>
        %dma_wait3A_844 = tpu.memref_squeeze %dma_wait3A_843 : memref<1x50x64xf32, #tpu.memory_space<vmem>> -> memref<50x64xf32, #tpu.memory_space<vmem>>
        tpu.wait_dma2 semaphore(%arg9 : memref<!tpu.dma_semaphore, #tpu.memory_space<semaphore_mem>>) src(%dma_wait3A_844 : memref<50x64xf32, #tpu.memory_space<vmem>>) dst(%dma_wait3A_840 : memref<50x64xf32, #tpu.memory_space<hbm>>)
        %mul3A_845 = arith.constant 8 : i32
        %mul3A_846 = arith.muli %add3A_369, %mul3A_845 : i32
        %add3A_847 = arith.addi %mul3A_4, %mul3A_846 : i32
        %add3A_848 = arith.constant 4 : i32
        %add3A_849 = arith.addi %add3A_847, %add3A_848 : i32
        %dma_wait3A_850 = arith.constant 0 : i32
        %dma_wait3A_851 = arith.constant 200 : i32
        %dma_wait3A_852 = arith.constant 0 : i32
        %dma_wait3A_853 = tpu.memref_slice %arg6[%dma_wait3A_850, %dma_wait3A_851, %dma_wait3A_852] : memref<2x400x64xf32, #tpu.memory_space<vmem>> -> memref<1x50x64xf32, #tpu.memory_space<vmem>>
        %dma_wait3A_854 = tpu.memref_squeeze %dma_wait3A_853 : memref<1x50x64xf32, #tpu.memory_space<vmem>> -> memref<50x64xf32, #tpu.memory_space<vmem>>
        %dma_wait3A_855 = arith.constant 0 : i32
        %dma_wait3A_856 = arith.constant 0 : i32
        %dma_wait3A_857 = tpu.memref_slice %arg4[%add3A_849, %dma_wait3A_855, %dma_wait3A_856] : memref<16384x50x64xf32, #tpu.memory_space<hbm>> -> memref<1x50x64xf32, #tpu.memory_space<hbm>>
        %dma_wait3A_858 = tpu.memref_squeeze %dma_wait3A_857 : memref<1x50x64xf32, #tpu.memory_space<hbm>> -> memref<50x64xf32, #tpu.memory_space<hbm>>
        %dma_wait3A_859 = arith.constant 0 : i32
        %dma_wait3A_860 = arith.constant 0 : i32
        %dma_wait3A_861 = tpu.memref_slice %arg4[%add3A_849, %dma_wait3A_859, %dma_wait3A_860] : memref<16384x50x64xf32, #tpu.memory_space<hbm>> -> memref<1x50x64xf32, #tpu.memory_space<hbm>>
        %dma_wait3A_862 = tpu.memref_squeeze %dma_wait3A_861 : memref<1x50x64xf32, #tpu.memory_space<hbm>> -> memref<50x64xf32, #tpu.memory_space<hbm>>
        %dma_wait3A_863 = arith.constant 200 : i32
        %dma_wait3A_864 = arith.constant 0 : i32
        %dma_wait3A_865 = tpu.memref_slice %arg6[%dma_wait3A_850, %dma_wait3A_863, %dma_wait3A_864] : memref<2x400x64xf32, #tpu.memory_space<vmem>> -> memref<1x50x64xf32, #tpu.memory_space<vmem>>
        %dma_wait3A_866 = tpu.memref_squeeze %dma_wait3A_865 : memref<1x50x64xf32, #tpu.memory_space<vmem>> -> memref<50x64xf32, #tpu.memory_space<vmem>>
        tpu.wait_dma2 semaphore(%arg9 : memref<!tpu.dma_semaphore, #tpu.memory_space<semaphore_mem>>) src(%dma_wait3A_866 : memref<50x64xf32, #tpu.memory_space<vmem>>) dst(%dma_wait3A_862 : memref<50x64xf32, #tpu.memory_space<hbm>>)
        %mul3A_867 = arith.constant 8 : i32
        %mul3A_868 = arith.muli %add3A_369, %mul3A_867 : i32
        %add3A_869 = arith.addi %mul3A_4, %mul3A_868 : i32
        %add3A_870 = arith.constant 5 : i32
        %add3A_871 = arith.addi %add3A_869, %add3A_870 : i32
        %dma_wait3A_872 = arith.constant 0 : i32
        %dma_wait3A_873 = arith.constant 250 : i32
        %dma_wait3A_874 = arith.constant 0 : i32
        %dma_wait3A_875 = tpu.memref_slice %arg6[%dma_wait3A_872, %dma_wait3A_873, %dma_wait3A_874] : memref<2x400x64xf32, #tpu.memory_space<vmem>> -> memref<1x50x64xf32, #tpu.memory_space<vmem>>
        %dma_wait3A_876 = tpu.memref_squeeze %dma_wait3A_875 : memref<1x50x64xf32, #tpu.memory_space<vmem>> -> memref<50x64xf32, #tpu.memory_space<vmem>>
        %dma_wait3A_877 = arith.constant 0 : i32
        %dma_wait3A_878 = arith.constant 0 : i32
        %dma_wait3A_879 = tpu.memref_slice %arg4[%add3A_871, %dma_wait3A_877, %dma_wait3A_878] : memref<16384x50x64xf32, #tpu.memory_space<hbm>> -> memref<1x50x64xf32, #tpu.memory_space<hbm>>
        %dma_wait3A_880 = tpu.memref_squeeze %dma_wait3A_879 : memref<1x50x64xf32, #tpu.memory_space<hbm>> -> memref<50x64xf32, #tpu.memory_space<hbm>>
        %dma_wait3A_881 = arith.constant 0 : i32
        %dma_wait3A_882 = arith.constant 0 : i32
        %dma_wait3A_883 = tpu.memref_slice %arg4[%add3A_871, %dma_wait3A_881, %dma_wait3A_882] : memref<16384x50x64xf32, #tpu.memory_space<hbm>> -> memref<1x50x64xf32, #tpu.memory_space<hbm>>
        %dma_wait3A_884 = tpu.memref_squeeze %dma_wait3A_883 : memref<1x50x64xf32, #tpu.memory_space<hbm>> -> memref<50x64xf32, #tpu.memory_space<hbm>>
        %dma_wait3A_885 = arith.constant 250 : i32
        %dma_wait3A_886 = arith.constant 0 : i32
        %dma_wait3A_887 = tpu.memref_slice %arg6[%dma_wait3A_872, %dma_wait3A_885, %dma_wait3A_886] : memref<2x400x64xf32, #tpu.memory_space<vmem>> -> memref<1x50x64xf32, #tpu.memory_space<vmem>>
        %dma_wait3A_888 = tpu.memref_squeeze %dma_wait3A_887 : memref<1x50x64xf32, #tpu.memory_space<vmem>> -> memref<50x64xf32, #tpu.memory_space<vmem>>
        tpu.wait_dma2 semaphore(%arg9 : memref<!tpu.dma_semaphore, #tpu.memory_space<semaphore_mem>>) src(%dma_wait3A_888 : memref<50x64xf32, #tpu.memory_space<vmem>>) dst(%dma_wait3A_884 : memref<50x64xf32, #tpu.memory_space<hbm>>)
        %mul3A_889 = arith.constant 8 : i32
        %mul3A_890 = arith.muli %add3A_369, %mul3A_889 : i32
        %add3A_891 = arith.addi %mul3A_4, %mul3A_890 : i32
        %add3A_892 = arith.constant 6 : i32
        %add3A_893 = arith.addi %add3A_891, %add3A_892 : i32
        %dma_wait3A_894 = arith.constant 0 : i32
        %dma_wait3A_895 = arith.constant 300 : i32
        %dma_wait3A_896 = arith.constant 0 : i32
        %dma_wait3A_897 = tpu.memref_slice %arg6[%dma_wait3A_894, %dma_wait3A_895, %dma_wait3A_896] : memref<2x400x64xf32, #tpu.memory_space<vmem>> -> memref<1x50x64xf32, #tpu.memory_space<vmem>>
        %dma_wait3A_898 = tpu.memref_squeeze %dma_wait3A_897 : memref<1x50x64xf32, #tpu.memory_space<vmem>> -> memref<50x64xf32, #tpu.memory_space<vmem>>
        %dma_wait3A_899 = arith.constant 0 : i32
        %dma_wait3A_900 = arith.constant 0 : i32
        %dma_wait3A_901 = tpu.memref_slice %arg4[%add3A_893, %dma_wait3A_899, %dma_wait3A_900] : memref<16384x50x64xf32, #tpu.memory_space<hbm>> -> memref<1x50x64xf32, #tpu.memory_space<hbm>>
        %dma_wait3A_902 = tpu.memref_squeeze %dma_wait3A_901 : memref<1x50x64xf32, #tpu.memory_space<hbm>> -> memref<50x64xf32, #tpu.memory_space<hbm>>
        %dma_wait3A_903 = arith.constant 0 : i32
        %dma_wait3A_904 = arith.constant 0 : i32
        %dma_wait3A_905 = tpu.memref_slice %arg4[%add3A_893, %dma_wait3A_903, %dma_wait3A_904] : memref<16384x50x64xf32, #tpu.memory_space<hbm>> -> memref<1x50x64xf32, #tpu.memory_space<hbm>>
        %dma_wait3A_906 = tpu.memref_squeeze %dma_wait3A_905 : memref<1x50x64xf32, #tpu.memory_space<hbm>> -> memref<50x64xf32, #tpu.memory_space<hbm>>
        %dma_wait3A_907 = arith.constant 300 : i32
        %dma_wait3A_908 = arith.constant 0 : i32
        %dma_wait3A_909 = tpu.memref_slice %arg6[%dma_wait3A_894, %dma_wait3A_907, %dma_wait3A_908] : memref<2x400x64xf32, #tpu.memory_space<vmem>> -> memref<1x50x64xf32, #tpu.memory_space<vmem>>
        %dma_wait3A_910 = tpu.memref_squeeze %dma_wait3A_909 : memref<1x50x64xf32, #tpu.memory_space<vmem>> -> memref<50x64xf32, #tpu.memory_space<vmem>>
        tpu.wait_dma2 semaphore(%arg9 : memref<!tpu.dma_semaphore, #tpu.memory_space<semaphore_mem>>) src(%dma_wait3A_910 : memref<50x64xf32, #tpu.memory_space<vmem>>) dst(%dma_wait3A_906 : memref<50x64xf32, #tpu.memory_space<hbm>>)
        %mul3A_911 = arith.constant 8 : i32
        %mul3A_912 = arith.muli %add3A_369, %mul3A_911 : i32
        %add3A_913 = arith.addi %mul3A_4, %mul3A_912 : i32
        %add3A_914 = arith.constant 7 : i32
        %add3A_915 = arith.addi %add3A_913, %add3A_914 : i32
        %dma_wait3A_916 = arith.constant 0 : i32
        %dma_wait3A_917 = arith.constant 350 : i32
        %dma_wait3A_918 = arith.constant 0 : i32
        %dma_wait3A_919 = tpu.memref_slice %arg6[%dma_wait3A_916, %dma_wait3A_917, %dma_wait3A_918] : memref<2x400x64xf32, #tpu.memory_space<vmem>> -> memref<1x50x64xf32, #tpu.memory_space<vmem>>
        %dma_wait3A_920 = tpu.memref_squeeze %dma_wait3A_919 : memref<1x50x64xf32, #tpu.memory_space<vmem>> -> memref<50x64xf32, #tpu.memory_space<vmem>>
        %dma_wait3A_921 = arith.constant 0 : i32
        %dma_wait3A_922 = arith.constant 0 : i32
        %dma_wait3A_923 = tpu.memref_slice %arg4[%add3A_915, %dma_wait3A_921, %dma_wait3A_922] : memref<16384x50x64xf32, #tpu.memory_space<hbm>> -> memref<1x50x64xf32, #tpu.memory_space<hbm>>
        %dma_wait3A_924 = tpu.memref_squeeze %dma_wait3A_923 : memref<1x50x64xf32, #tpu.memory_space<hbm>> -> memref<50x64xf32, #tpu.memory_space<hbm>>
        %dma_wait3A_925 = arith.constant 0 : i32
        %dma_wait3A_926 = arith.constant 0 : i32
        %dma_wait3A_927 = tpu.memref_slice %arg4[%add3A_915, %dma_wait3A_925, %dma_wait3A_926] : memref<16384x50x64xf32, #tpu.memory_space<hbm>> -> memref<1x50x64xf32, #tpu.memory_space<hbm>>
        %dma_wait3A_928 = tpu.memref_squeeze %dma_wait3A_927 : memref<1x50x64xf32, #tpu.memory_space<hbm>> -> memref<50x64xf32, #tpu.memory_space<hbm>>
        %dma_wait3A_929 = arith.constant 350 : i32
        %dma_wait3A_930 = arith.constant 0 : i32
        %dma_wait3A_931 = tpu.memref_slice %arg6[%dma_wait3A_916, %dma_wait3A_929, %dma_wait3A_930] : memref<2x400x64xf32, #tpu.memory_space<vmem>> -> memref<1x50x64xf32, #tpu.memory_space<vmem>>
        %dma_wait3A_932 = tpu.memref_squeeze %dma_wait3A_931 : memref<1x50x64xf32, #tpu.memory_space<vmem>> -> memref<50x64xf32, #tpu.memory_space<vmem>>
        tpu.wait_dma2 semaphore(%arg9 : memref<!tpu.dma_semaphore, #tpu.memory_space<semaphore_mem>>) src(%dma_wait3A_932 : memref<50x64xf32, #tpu.memory_space<vmem>>) dst(%dma_wait3A_928 : memref<50x64xf32, #tpu.memory_space<hbm>>)
        %add3A_933 = arith.constant 2 : i32
        %add3A_934 = arith.addi %add3A_369, %add3A_933 : i32
        %mul3A_935 = arith.constant 400 : i32
        %mul3A_936 = arith.muli %add3A_934, %mul3A_935 : i32
        %dma_start3A_937 = arith.constant 0 : i32
        %dma_start3A_938 = arith.constant 0 : i32
        %dma_start3A_939 = arith.constant 0 : i32
        %dma_start3A_940 = tpu.memref_slice %arg6[%dma_start3A_937, %dma_start3A_938, %dma_start3A_939] : memref<2x400x64xf32, #tpu.memory_space<vmem>> -> memref<1x400x64xf32, #tpu.memory_space<vmem>>
        %dma_start3A_941 = tpu.memref_squeeze %dma_start3A_940 : memref<1x400x64xf32, #tpu.memory_space<vmem>> -> memref<400x64xf32, #tpu.memory_space<vmem>>
        %dma_start3A_942 = tpu.memref_slice %arg5[%mul3A_936] : memref<25600xi32, #tpu.memory_space<vmem>> -> memref<400xi32, #tpu.memory_space<vmem>>
        %dma_start3A_943 = arith.constant 0 : i32
        %dma_start3A_944 = arith.constant 0 : i32
        %dma_start3A_945 = tpu.memref_slice %arg2[%dma_start3A_943, %dma_start3A_944] : memref<1000000x64xf32, #tpu.memory_space<hbm>> -> memref<1000000x64xf32, #tpu.memory_space<hbm>>
        tpu.enqueue_indirect_dma source(%dma_start3A_945 : memref<1000000x64xf32, #tpu.memory_space<hbm>>) target(%dma_start3A_941 : memref<400x64xf32, #tpu.memory_space<vmem>>) offsets(%dma_start3A_942 : memref<400xi32, #tpu.memory_space<vmem>>) semaphore(%arg7 : memref<!tpu.dma_semaphore, #tpu.memory_space<semaphore_mem>>)
      } else {
      }
      %add3A_561 = arith.constant 1 : i32
      %add3A_562 = arith.addi %add3A_367, %add3A_561 : i32
      %mul3A_563 = arith.constant 400 : i32
      %mul3A_564 = arith.muli %add3A_562, %mul3A_563 : i32
      %dma_wait3A_565 = arith.constant 1 : i32
      %dma_wait3A_566 = arith.constant 0 : i32
      %dma_wait3A_567 = arith.constant 0 : i32
      %dma_wait3A_568 = tpu.memref_slice %arg6[%dma_wait3A_565, %dma_wait3A_566, %dma_wait3A_567] : memref<2x400x64xf32, #tpu.memory_space<vmem>> -> memref<1x400x64xf32, #tpu.memory_space<vmem>>
      %dma_wait3A_569 = tpu.memref_squeeze %dma_wait3A_568 : memref<1x400x64xf32, #tpu.memory_space<vmem>> -> memref<400x64xf32, #tpu.memory_space<vmem>>
      %dma_wait3A_570 = tpu.memref_slice %arg5[%mul3A_564] : memref<25600xi32, #tpu.memory_space<vmem>> -> memref<400xi32, #tpu.memory_space<vmem>>
      %dma_wait3A_571 = arith.constant 0 : i32
      %dma_wait3A_572 = arith.constant 0 : i32
      %dma_wait3A_573 = tpu.memref_slice %arg2[%dma_wait3A_571, %dma_wait3A_572] : memref<1000000x64xf32, #tpu.memory_space<hbm>> -> memref<1000000x64xf32, #tpu.memory_space<hbm>>
      tpu.wait_indirect_dma semaphore(%arg8 : memref<!tpu.dma_semaphore, #tpu.memory_space<semaphore_mem>>) src(%dma_wait3A_573 : memref<1000000x64xf32, #tpu.memory_space<hbm>>) dst(%dma_wait3A_569 : memref<400x64xf32, #tpu.memory_space<vmem>>)
      %mul3A_574 = arith.constant 8 : i32
      %mul3A_575 = arith.muli %add3A_562, %mul3A_574 : i32
      %add3A_576 = arith.addi %mul3A_4, %mul3A_575 : i32
      %add3A_577 = arith.constant 0 : i32
      %add3A_578 = arith.addi %add3A_576, %add3A_577 : i32
      %dma_start3A_579 = arith.constant 1 : i32
      %dma_start3A_580 = arith.constant 0 : i32
      %dma_start3A_581 = arith.constant 0 : i32
      %dma_start3A_582 = tpu.memref_slice %arg6[%dma_start3A_579, %dma_start3A_580, %dma_start3A_581] : memref<2x400x64xf32, #tpu.memory_space<vmem>> -> memref<1x50x64xf32, #tpu.memory_space<vmem>>
      %dma_start3A_583 = tpu.memref_squeeze %dma_start3A_582 : memref<1x50x64xf32, #tpu.memory_space<vmem>> -> memref<50x64xf32, #tpu.memory_space<vmem>>
      %dma_start3A_584 = arith.constant 0 : i32
      %dma_start3A_585 = arith.constant 0 : i32
      %dma_start3A_586 = tpu.memref_slice %arg4[%add3A_578, %dma_start3A_584, %dma_start3A_585] : memref<16384x50x64xf32, #tpu.memory_space<hbm>> -> memref<1x50x64xf32, #tpu.memory_space<hbm>>
      %dma_start3A_587 = tpu.memref_squeeze %dma_start3A_586 : memref<1x50x64xf32, #tpu.memory_space<hbm>> -> memref<50x64xf32, #tpu.memory_space<hbm>>
      %dma_start3A_588 = arith.constant 0 : i32
      %dma_start3A_589 = arith.constant 0 : i32
      %dma_start3A_590 = tpu.memref_slice %arg4[%add3A_578, %dma_start3A_588, %dma_start3A_589] : memref<16384x50x64xf32, #tpu.memory_space<hbm>> -> memref<1x50x64xf32, #tpu.memory_space<hbm>>
      %dma_start3A_591 = tpu.memref_squeeze %dma_start3A_590 : memref<1x50x64xf32, #tpu.memory_space<hbm>> -> memref<50x64xf32, #tpu.memory_space<hbm>>
      %dma_start3A_592 = arith.constant 0 : i32
      %dma_start3A_593 = arith.constant 0 : i32
      %dma_start3A_594 = tpu.memref_slice %arg6[%dma_start3A_579, %dma_start3A_592, %dma_start3A_593] : memref<2x400x64xf32, #tpu.memory_space<vmem>> -> memref<1x50x64xf32, #tpu.memory_space<vmem>>
      %dma_start3A_595 = tpu.memref_squeeze %dma_start3A_594 : memref<1x50x64xf32, #tpu.memory_space<vmem>> -> memref<50x64xf32, #tpu.memory_space<vmem>>
      tpu.enqueue_dma source(%dma_start3A_595 : memref<50x64xf32, #tpu.memory_space<vmem>>) target(%dma_start3A_591 : memref<50x64xf32, #tpu.memory_space<hbm>>) target_semaphore(%arg10 : memref<!tpu.dma_semaphore, #tpu.memory_space<semaphore_mem>>)
      %mul3A_596 = arith.constant 8 : i32
      %mul3A_597 = arith.muli %add3A_562, %mul3A_596 : i32
      %add3A_598 = arith.addi %mul3A_4, %mul3A_597 : i32
      %add3A_599 = arith.constant 1 : i32
      %add3A_600 = arith.addi %add3A_598, %add3A_599 : i32
      %dma_start3A_601 = arith.constant 1 : i32
      %dma_start3A_602 = arith.constant 50 : i32
      %dma_start3A_603 = arith.constant 0 : i32
      %dma_start3A_604 = tpu.memref_slice %arg6[%dma_start3A_601, %dma_start3A_602, %dma_start3A_603] : memref<2x400x64xf32, #tpu.memory_space<vmem>> -> memref<1x50x64xf32, #tpu.memory_space<vmem>>
      %dma_start3A_605 = tpu.memref_squeeze %dma_start3A_604 : memref<1x50x64xf32, #tpu.memory_space<vmem>> -> memref<50x64xf32, #tpu.memory_space<vmem>>
      %dma_start3A_606 = arith.constant 0 : i32
      %dma_start3A_607 = arith.constant 0 : i32
      %dma_start3A_608 = tpu.memref_slice %arg4[%add3A_600, %dma_start3A_606, %dma_start3A_607] : memref<16384x50x64xf32, #tpu.memory_space<hbm>> -> memref<1x50x64xf32, #tpu.memory_space<hbm>>
      %dma_start3A_609 = tpu.memref_squeeze %dma_start3A_608 : memref<1x50x64xf32, #tpu.memory_space<hbm>> -> memref<50x64xf32, #tpu.memory_space<hbm>>
      %dma_start3A_610 = arith.constant 0 : i32
      %dma_start3A_611 = arith.constant 0 : i32
      %dma_start3A_612 = tpu.memref_slice %arg4[%add3A_600, %dma_start3A_610, %dma_start3A_611] : memref<16384x50x64xf32, #tpu.memory_space<hbm>> -> memref<1x50x64xf32, #tpu.memory_space<hbm>>
      %dma_start3A_613 = tpu.memref_squeeze %dma_start3A_612 : memref<1x50x64xf32, #tpu.memory_space<hbm>> -> memref<50x64xf32, #tpu.memory_space<hbm>>
      %dma_start3A_614 = arith.constant 50 : i32
      %dma_start3A_615 = arith.constant 0 : i32
      %dma_start3A_616 = tpu.memref_slice %arg6[%dma_start3A_601, %dma_start3A_614, %dma_start3A_615] : memref<2x400x64xf32, #tpu.memory_space<vmem>> -> memref<1x50x64xf32, #tpu.memory_space<vmem>>
      %dma_start3A_617 = tpu.memref_squeeze %dma_start3A_616 : memref<1x50x64xf32, #tpu.memory_space<vmem>> -> memref<50x64xf32, #tpu.memory_space<vmem>>
      tpu.enqueue_dma source(%dma_start3A_617 : memref<50x64xf32, #tpu.memory_space<vmem>>) target(%dma_start3A_613 : memref<50x64xf32, #tpu.memory_space<hbm>>) target_semaphore(%arg10 : memref<!tpu.dma_semaphore, #tpu.memory_space<semaphore_mem>>)
      %mul3A_618 = arith.constant 8 : i32
      %mul3A_619 = arith.muli %add3A_562, %mul3A_618 : i32
      %add3A_620 = arith.addi %mul3A_4, %mul3A_619 : i32
      %add3A_621 = arith.constant 2 : i32
      %add3A_622 = arith.addi %add3A_620, %add3A_621 : i32
      %dma_start3A_623 = arith.constant 1 : i32
      %dma_start3A_624 = arith.constant 100 : i32
      %dma_start3A_625 = arith.constant 0 : i32
      %dma_start3A_626 = tpu.memref_slice %arg6[%dma_start3A_623, %dma_start3A_624, %dma_start3A_625] : memref<2x400x64xf32, #tpu.memory_space<vmem>> -> memref<1x50x64xf32, #tpu.memory_space<vmem>>
      %dma_start3A_627 = tpu.memref_squeeze %dma_start3A_626 : memref<1x50x64xf32, #tpu.memory_space<vmem>> -> memref<50x64xf32, #tpu.memory_space<vmem>>
      %dma_start3A_628 = arith.constant 0 : i32
      %dma_start3A_629 = arith.constant 0 : i32
      %dma_start3A_630 = tpu.memref_slice %arg4[%add3A_622, %dma_start3A_628, %dma_start3A_629] : memref<16384x50x64xf32, #tpu.memory_space<hbm>> -> memref<1x50x64xf32, #tpu.memory_space<hbm>>
      %dma_start3A_631 = tpu.memref_squeeze %dma_start3A_630 : memref<1x50x64xf32, #tpu.memory_space<hbm>> -> memref<50x64xf32, #tpu.memory_space<hbm>>
      %dma_start3A_632 = arith.constant 0 : i32
      %dma_start3A_633 = arith.constant 0 : i32
      %dma_start3A_634 = tpu.memref_slice %arg4[%add3A_622, %dma_start3A_632, %dma_start3A_633] : memref<16384x50x64xf32, #tpu.memory_space<hbm>> -> memref<1x50x64xf32, #tpu.memory_space<hbm>>
      %dma_start3A_635 = tpu.memref_squeeze %dma_start3A_634 : memref<1x50x64xf32, #tpu.memory_space<hbm>> -> memref<50x64xf32, #tpu.memory_space<hbm>>
      %dma_start3A_636 = arith.constant 100 : i32
      %dma_start3A_637 = arith.constant 0 : i32
      %dma_start3A_638 = tpu.memref_slice %arg6[%dma_start3A_623, %dma_start3A_636, %dma_start3A_637] : memref<2x400x64xf32, #tpu.memory_space<vmem>> -> memref<1x50x64xf32, #tpu.memory_space<vmem>>
      %dma_start3A_639 = tpu.memref_squeeze %dma_start3A_638 : memref<1x50x64xf32, #tpu.memory_space<vmem>> -> memref<50x64xf32, #tpu.memory_space<vmem>>
      tpu.enqueue_dma source(%dma_start3A_639 : memref<50x64xf32, #tpu.memory_space<vmem>>) target(%dma_start3A_635 : memref<50x64xf32, #tpu.memory_space<hbm>>) target_semaphore(%arg10 : memref<!tpu.dma_semaphore, #tpu.memory_space<semaphore_mem>>)
      %mul3A_640 = arith.constant 8 : i32
      %mul3A_641 = arith.muli %add3A_562, %mul3A_640 : i32
      %add3A_642 = arith.addi %mul3A_4, %mul3A_641 : i32
      %add3A_643 = arith.constant 3 : i32
      %add3A_644 = arith.addi %add3A_642, %add3A_643 : i32
      %dma_start3A_645 = arith.constant 1 : i32
      %dma_start3A_646 = arith.constant 150 : i32
      %dma_start3A_647 = arith.constant 0 : i32
      %dma_start3A_648 = tpu.memref_slice %arg6[%dma_start3A_645, %dma_start3A_646, %dma_start3A_647] : memref<2x400x64xf32, #tpu.memory_space<vmem>> -> memref<1x50x64xf32, #tpu.memory_space<vmem>>
      %dma_start3A_649 = tpu.memref_squeeze %dma_start3A_648 : memref<1x50x64xf32, #tpu.memory_space<vmem>> -> memref<50x64xf32, #tpu.memory_space<vmem>>
      %dma_start3A_650 = arith.constant 0 : i32
      %dma_start3A_651 = arith.constant 0 : i32
      %dma_start3A_652 = tpu.memref_slice %arg4[%add3A_644, %dma_start3A_650, %dma_start3A_651] : memref<16384x50x64xf32, #tpu.memory_space<hbm>> -> memref<1x50x64xf32, #tpu.memory_space<hbm>>
      %dma_start3A_653 = tpu.memref_squeeze %dma_start3A_652 : memref<1x50x64xf32, #tpu.memory_space<hbm>> -> memref<50x64xf32, #tpu.memory_space<hbm>>
      %dma_start3A_654 = arith.constant 0 : i32
      %dma_start3A_655 = arith.constant 0 : i32
      %dma_start3A_656 = tpu.memref_slice %arg4[%add3A_644, %dma_start3A_654, %dma_start3A_655] : memref<16384x50x64xf32, #tpu.memory_space<hbm>> -> memref<1x50x64xf32, #tpu.memory_space<hbm>>
      %dma_start3A_657 = tpu.memref_squeeze %dma_start3A_656 : memref<1x50x64xf32, #tpu.memory_space<hbm>> -> memref<50x64xf32, #tpu.memory_space<hbm>>
      %dma_start3A_658 = arith.constant 150 : i32
      %dma_start3A_659 = arith.constant 0 : i32
      %dma_start3A_660 = tpu.memref_slice %arg6[%dma_start3A_645, %dma_start3A_658, %dma_start3A_659] : memref<2x400x64xf32, #tpu.memory_space<vmem>> -> memref<1x50x64xf32, #tpu.memory_space<vmem>>
      %dma_start3A_661 = tpu.memref_squeeze %dma_start3A_660 : memref<1x50x64xf32, #tpu.memory_space<vmem>> -> memref<50x64xf32, #tpu.memory_space<vmem>>
      tpu.enqueue_dma source(%dma_start3A_661 : memref<50x64xf32, #tpu.memory_space<vmem>>) target(%dma_start3A_657 : memref<50x64xf32, #tpu.memory_space<hbm>>) target_semaphore(%arg10 : memref<!tpu.dma_semaphore, #tpu.memory_space<semaphore_mem>>)
      %mul3A_662 = arith.constant 8 : i32
      %mul3A_663 = arith.muli %add3A_562, %mul3A_662 : i32
      %add3A_664 = arith.addi %mul3A_4, %mul3A_663 : i32
      %add3A_665 = arith.constant 4 : i32
      %add3A_666 = arith.addi %add3A_664, %add3A_665 : i32
      %dma_start3A_667 = arith.constant 1 : i32
      %dma_start3A_668 = arith.constant 200 : i32
      %dma_start3A_669 = arith.constant 0 : i32
      %dma_start3A_670 = tpu.memref_slice %arg6[%dma_start3A_667, %dma_start3A_668, %dma_start3A_669] : memref<2x400x64xf32, #tpu.memory_space<vmem>> -> memref<1x50x64xf32, #tpu.memory_space<vmem>>
      %dma_start3A_671 = tpu.memref_squeeze %dma_start3A_670 : memref<1x50x64xf32, #tpu.memory_space<vmem>> -> memref<50x64xf32, #tpu.memory_space<vmem>>
      %dma_start3A_672 = arith.constant 0 : i32
      %dma_start3A_673 = arith.constant 0 : i32
      %dma_start3A_674 = tpu.memref_slice %arg4[%add3A_666, %dma_start3A_672, %dma_start3A_673] : memref<16384x50x64xf32, #tpu.memory_space<hbm>> -> memref<1x50x64xf32, #tpu.memory_space<hbm>>
      %dma_start3A_675 = tpu.memref_squeeze %dma_start3A_674 : memref<1x50x64xf32, #tpu.memory_space<hbm>> -> memref<50x64xf32, #tpu.memory_space<hbm>>
      %dma_start3A_676 = arith.constant 0 : i32
      %dma_start3A_677 = arith.constant 0 : i32
      %dma_start3A_678 = tpu.memref_slice %arg4[%add3A_666, %dma_start3A_676, %dma_start3A_677] : memref<16384x50x64xf32, #tpu.memory_space<hbm>> -> memref<1x50x64xf32, #tpu.memory_space<hbm>>
      %dma_start3A_679 = tpu.memref_squeeze %dma_start3A_678 : memref<1x50x64xf32, #tpu.memory_space<hbm>> -> memref<50x64xf32, #tpu.memory_space<hbm>>
      %dma_start3A_680 = arith.constant 200 : i32
      %dma_start3A_681 = arith.constant 0 : i32
      %dma_start3A_682 = tpu.memref_slice %arg6[%dma_start3A_667, %dma_start3A_680, %dma_start3A_681] : memref<2x400x64xf32, #tpu.memory_space<vmem>> -> memref<1x50x64xf32, #tpu.memory_space<vmem>>
      %dma_start3A_683 = tpu.memref_squeeze %dma_start3A_682 : memref<1x50x64xf32, #tpu.memory_space<vmem>> -> memref<50x64xf32, #tpu.memory_space<vmem>>
      tpu.enqueue_dma source(%dma_start3A_683 : memref<50x64xf32, #tpu.memory_space<vmem>>) target(%dma_start3A_679 : memref<50x64xf32, #tpu.memory_space<hbm>>) target_semaphore(%arg10 : memref<!tpu.dma_semaphore, #tpu.memory_space<semaphore_mem>>)
      %mul3A_684 = arith.constant 8 : i32
      %mul3A_685 = arith.muli %add3A_562, %mul3A_684 : i32
      %add3A_686 = arith.addi %mul3A_4, %mul3A_685 : i32
      %add3A_687 = arith.constant 5 : i32
      %add3A_688 = arith.addi %add3A_686, %add3A_687 : i32
      %dma_start3A_689 = arith.constant 1 : i32
      %dma_start3A_690 = arith.constant 250 : i32
      %dma_start3A_691 = arith.constant 0 : i32
      %dma_start3A_692 = tpu.memref_slice %arg6[%dma_start3A_689, %dma_start3A_690, %dma_start3A_691] : memref<2x400x64xf32, #tpu.memory_space<vmem>> -> memref<1x50x64xf32, #tpu.memory_space<vmem>>
      %dma_start3A_693 = tpu.memref_squeeze %dma_start3A_692 : memref<1x50x64xf32, #tpu.memory_space<vmem>> -> memref<50x64xf32, #tpu.memory_space<vmem>>
      %dma_start3A_694 = arith.constant 0 : i32
      %dma_start3A_695 = arith.constant 0 : i32
      %dma_start3A_696 = tpu.memref_slice %arg4[%add3A_688, %dma_start3A_694, %dma_start3A_695] : memref<16384x50x64xf32, #tpu.memory_space<hbm>> -> memref<1x50x64xf32, #tpu.memory_space<hbm>>
      %dma_start3A_697 = tpu.memref_squeeze %dma_start3A_696 : memref<1x50x64xf32, #tpu.memory_space<hbm>> -> memref<50x64xf32, #tpu.memory_space<hbm>>
      %dma_start3A_698 = arith.constant 0 : i32
      %dma_start3A_699 = arith.constant 0 : i32
      %dma_start3A_700 = tpu.memref_slice %arg4[%add3A_688, %dma_start3A_698, %dma_start3A_699] : memref<16384x50x64xf32, #tpu.memory_space<hbm>> -> memref<1x50x64xf32, #tpu.memory_space<hbm>>
      %dma_start3A_701 = tpu.memref_squeeze %dma_start3A_700 : memref<1x50x64xf32, #tpu.memory_space<hbm>> -> memref<50x64xf32, #tpu.memory_space<hbm>>
      %dma_start3A_702 = arith.constant 250 : i32
      %dma_start3A_703 = arith.constant 0 : i32
      %dma_start3A_704 = tpu.memref_slice %arg6[%dma_start3A_689, %dma_start3A_702, %dma_start3A_703] : memref<2x400x64xf32, #tpu.memory_space<vmem>> -> memref<1x50x64xf32, #tpu.memory_space<vmem>>
      %dma_start3A_705 = tpu.memref_squeeze %dma_start3A_704 : memref<1x50x64xf32, #tpu.memory_space<vmem>> -> memref<50x64xf32, #tpu.memory_space<vmem>>
      tpu.enqueue_dma source(%dma_start3A_705 : memref<50x64xf32, #tpu.memory_space<vmem>>) target(%dma_start3A_701 : memref<50x64xf32, #tpu.memory_space<hbm>>) target_semaphore(%arg10 : memref<!tpu.dma_semaphore, #tpu.memory_space<semaphore_mem>>)
      %mul3A_706 = arith.constant 8 : i32
      %mul3A_707 = arith.muli %add3A_562, %mul3A_706 : i32
      %add3A_708 = arith.addi %mul3A_4, %mul3A_707 : i32
      %add3A_709 = arith.constant 6 : i32
      %add3A_710 = arith.addi %add3A_708, %add3A_709 : i32
      %dma_start3A_711 = arith.constant 1 : i32
      %dma_start3A_712 = arith.constant 300 : i32
      %dma_start3A_713 = arith.constant 0 : i32
      %dma_start3A_714 = tpu.memref_slice %arg6[%dma_start3A_711, %dma_start3A_712, %dma_start3A_713] : memref<2x400x64xf32, #tpu.memory_space<vmem>> -> memref<1x50x64xf32, #tpu.memory_space<vmem>>
      %dma_start3A_715 = tpu.memref_squeeze %dma_start3A_714 : memref<1x50x64xf32, #tpu.memory_space<vmem>> -> memref<50x64xf32, #tpu.memory_space<vmem>>
      %dma_start3A_716 = arith.constant 0 : i32
      %dma_start3A_717 = arith.constant 0 : i32
      %dma_start3A_718 = tpu.memref_slice %arg4[%add3A_710, %dma_start3A_716, %dma_start3A_717] : memref<16384x50x64xf32, #tpu.memory_space<hbm>> -> memref<1x50x64xf32, #tpu.memory_space<hbm>>
      %dma_start3A_719 = tpu.memref_squeeze %dma_start3A_718 : memref<1x50x64xf32, #tpu.memory_space<hbm>> -> memref<50x64xf32, #tpu.memory_space<hbm>>
      %dma_start3A_720 = arith.constant 0 : i32
      %dma_start3A_721 = arith.constant 0 : i32
      %dma_start3A_722 = tpu.memref_slice %arg4[%add3A_710, %dma_start3A_720, %dma_start3A_721] : memref<16384x50x64xf32, #tpu.memory_space<hbm>> -> memref<1x50x64xf32, #tpu.memory_space<hbm>>
      %dma_start3A_723 = tpu.memref_squeeze %dma_start3A_722 : memref<1x50x64xf32, #tpu.memory_space<hbm>> -> memref<50x64xf32, #tpu.memory_space<hbm>>
      %dma_start3A_724 = arith.constant 300 : i32
      %dma_start3A_725 = arith.constant 0 : i32
      %dma_start3A_726 = tpu.memref_slice %arg6[%dma_start3A_711, %dma_start3A_724, %dma_start3A_725] : memref<2x400x64xf32, #tpu.memory_space<vmem>> -> memref<1x50x64xf32, #tpu.memory_space<vmem>>
      %dma_start3A_727 = tpu.memref_squeeze %dma_start3A_726 : memref<1x50x64xf32, #tpu.memory_space<vmem>> -> memref<50x64xf32, #tpu.memory_space<vmem>>
      tpu.enqueue_dma source(%dma_start3A_727 : memref<50x64xf32, #tpu.memory_space<vmem>>) target(%dma_start3A_723 : memref<50x64xf32, #tpu.memory_space<hbm>>) target_semaphore(%arg10 : memref<!tpu.dma_semaphore, #tpu.memory_space<semaphore_mem>>)
      %mul3A_728 = arith.constant 8 : i32
      %mul3A_729 = arith.muli %add3A_562, %mul3A_728 : i32
      %add3A_730 = arith.addi %mul3A_4, %mul3A_729 : i32
      %add3A_731 = arith.constant 7 : i32
      %add3A_732 = arith.addi %add3A_730, %add3A_731 : i32
      %dma_start3A_733 = arith.constant 1 : i32
      %dma_start3A_734 = arith.constant 350 : i32
      %dma_start3A_735 = arith.constant 0 : i32
      %dma_start3A_736 = tpu.memref_slice %arg6[%dma_start3A_733, %dma_start3A_734, %dma_start3A_735] : memref<2x400x64xf32, #tpu.memory_space<vmem>> -> memref<1x50x64xf32, #tpu.memory_space<vmem>>
      %dma_start3A_737 = tpu.memref_squeeze %dma_start3A_736 : memref<1x50x64xf32, #tpu.memory_space<vmem>> -> memref<50x64xf32, #tpu.memory_space<vmem>>
      %dma_start3A_738 = arith.constant 0 : i32
      %dma_start3A_739 = arith.constant 0 : i32
      %dma_start3A_740 = tpu.memref_slice %arg4[%add3A_732, %dma_start3A_738, %dma_start3A_739] : memref<16384x50x64xf32, #tpu.memory_space<hbm>> -> memref<1x50x64xf32, #tpu.memory_space<hbm>>
      %dma_start3A_741 = tpu.memref_squeeze %dma_start3A_740 : memref<1x50x64xf32, #tpu.memory_space<hbm>> -> memref<50x64xf32, #tpu.memory_space<hbm>>
      %dma_start3A_742 = arith.constant 0 : i32
      %dma_start3A_743 = arith.constant 0 : i32
      %dma_start3A_744 = tpu.memref_slice %arg4[%add3A_732, %dma_start3A_742, %dma_start3A_743] : memref<16384x50x64xf32, #tpu.memory_space<hbm>> -> memref<1x50x64xf32, #tpu.memory_space<hbm>>
      %dma_start3A_745 = tpu.memref_squeeze %dma_start3A_744 : memref<1x50x64xf32, #tpu.memory_space<hbm>> -> memref<50x64xf32, #tpu.memory_space<hbm>>
      %dma_start3A_746 = arith.constant 350 : i32
      %dma_start3A_747 = arith.constant 0 : i32
      %dma_start3A_748 = tpu.memref_slice %arg6[%dma_start3A_733, %dma_start3A_746, %dma_start3A_747] : memref<2x400x64xf32, #tpu.memory_space<vmem>> -> memref<1x50x64xf32, #tpu.memory_space<vmem>>
      %dma_start3A_749 = tpu.memref_squeeze %dma_start3A_748 : memref<1x50x64xf32, #tpu.memory_space<vmem>> -> memref<50x64xf32, #tpu.memory_space<vmem>>
      tpu.enqueue_dma source(%dma_start3A_749 : memref<50x64xf32, #tpu.memory_space<vmem>>) target(%dma_start3A_745 : memref<50x64xf32, #tpu.memory_space<hbm>>) target_semaphore(%arg10 : memref<!tpu.dma_semaphore, #tpu.memory_space<semaphore_mem>>)
      %add3A_750 = arith.constant 2 : i32
      %add3A_751 = arith.addi %add3A_562, %add3A_750 : i32
      %lt3A_752 = arith.constant 64 : i32
      %lt3A_753 = arith.cmpi slt, %add3A_751, %lt3A_752 : i32
      %convert_element_type3A_754 = arith.extui %lt3A_753 : i1 to i32
      %cond3A_755 = arith.constant 0 : i32
      %cond3A_756 = arith.cmpi ne, %convert_element_type3A_754, %cond3A_755 : i32
      scf.if %cond3A_756 {
        %mul3A_757 = arith.constant 8 : i32
        %mul3A_758 = arith.muli %add3A_562, %mul3A_757 : i32
        %add3A_759 = arith.addi %mul3A_4, %mul3A_758 : i32
        %add3A_760 = arith.constant 0 : i32
        %add3A_761 = arith.addi %add3A_759, %add3A_760 : i32
        %dma_wait3A_762 = arith.constant 1 : i32
        %dma_wait3A_763 = arith.constant 0 : i32
        %dma_wait3A_764 = arith.constant 0 : i32
        %dma_wait3A_765 = tpu.memref_slice %arg6[%dma_wait3A_762, %dma_wait3A_763, %dma_wait3A_764] : memref<2x400x64xf32, #tpu.memory_space<vmem>> -> memref<1x50x64xf32, #tpu.memory_space<vmem>>
        %dma_wait3A_766 = tpu.memref_squeeze %dma_wait3A_765 : memref<1x50x64xf32, #tpu.memory_space<vmem>> -> memref<50x64xf32, #tpu.memory_space<vmem>>
        %dma_wait3A_767 = arith.constant 0 : i32
        %dma_wait3A_768 = arith.constant 0 : i32
        %dma_wait3A_769 = tpu.memref_slice %arg4[%add3A_761, %dma_wait3A_767, %dma_wait3A_768] : memref<16384x50x64xf32, #tpu.memory_space<hbm>> -> memref<1x50x64xf32, #tpu.memory_space<hbm>>
        %dma_wait3A_770 = tpu.memref_squeeze %dma_wait3A_769 : memref<1x50x64xf32, #tpu.memory_space<hbm>> -> memref<50x64xf32, #tpu.memory_space<hbm>>
        %dma_wait3A_771 = arith.constant 0 : i32
        %dma_wait3A_772 = arith.constant 0 : i32
        %dma_wait3A_773 = tpu.memref_slice %arg4[%add3A_761, %dma_wait3A_771, %dma_wait3A_772] : memref<16384x50x64xf32, #tpu.memory_space<hbm>> -> memref<1x50x64xf32, #tpu.memory_space<hbm>>
        %dma_wait3A_774 = tpu.memref_squeeze %dma_wait3A_773 : memref<1x50x64xf32, #tpu.memory_space<hbm>> -> memref<50x64xf32, #tpu.memory_space<hbm>>
        %dma_wait3A_775 = arith.constant 0 : i32
        %dma_wait3A_776 = arith.constant 0 : i32
        %dma_wait3A_777 = tpu.memref_slice %arg6[%dma_wait3A_762, %dma_wait3A_775, %dma_wait3A_776] : memref<2x400x64xf32, #tpu.memory_space<vmem>> -> memref<1x50x64xf32, #tpu.memory_space<vmem>>
        %dma_wait3A_778 = tpu.memref_squeeze %dma_wait3A_777 : memref<1x50x64xf32, #tpu.memory_space<vmem>> -> memref<50x64xf32, #tpu.memory_space<vmem>>
        tpu.wait_dma2 semaphore(%arg10 : memref<!tpu.dma_semaphore, #tpu.memory_space<semaphore_mem>>) src(%dma_wait3A_778 : memref<50x64xf32, #tpu.memory_space<vmem>>) dst(%dma_wait3A_774 : memref<50x64xf32, #tpu.memory_space<hbm>>)
        %mul3A_779 = arith.constant 8 : i32
        %mul3A_780 = arith.muli %add3A_562, %mul3A_779 : i32
        %add3A_781 = arith.addi %mul3A_4, %mul3A_780 : i32
        %add3A_782 = arith.constant 1 : i32
        %add3A_783 = arith.addi %add3A_781, %add3A_782 : i32
        %dma_wait3A_784 = arith.constant 1 : i32
        %dma_wait3A_785 = arith.constant 50 : i32
        %dma_wait3A_786 = arith.constant 0 : i32
        %dma_wait3A_787 = tpu.memref_slice %arg6[%dma_wait3A_784, %dma_wait3A_785, %dma_wait3A_786] : memref<2x400x64xf32, #tpu.memory_space<vmem>> -> memref<1x50x64xf32, #tpu.memory_space<vmem>>
        %dma_wait3A_788 = tpu.memref_squeeze %dma_wait3A_787 : memref<1x50x64xf32, #tpu.memory_space<vmem>> -> memref<50x64xf32, #tpu.memory_space<vmem>>
        %dma_wait3A_789 = arith.constant 0 : i32
        %dma_wait3A_790 = arith.constant 0 : i32
        %dma_wait3A_791 = tpu.memref_slice %arg4[%add3A_783, %dma_wait3A_789, %dma_wait3A_790] : memref<16384x50x64xf32, #tpu.memory_space<hbm>> -> memref<1x50x64xf32, #tpu.memory_space<hbm>>
        %dma_wait3A_792 = tpu.memref_squeeze %dma_wait3A_791 : memref<1x50x64xf32, #tpu.memory_space<hbm>> -> memref<50x64xf32, #tpu.memory_space<hbm>>
        %dma_wait3A_793 = arith.constant 0 : i32
        %dma_wait3A_794 = arith.constant 0 : i32
        %dma_wait3A_795 = tpu.memref_slice %arg4[%add3A_783, %dma_wait3A_793, %dma_wait3A_794] : memref<16384x50x64xf32, #tpu.memory_space<hbm>> -> memref<1x50x64xf32, #tpu.memory_space<hbm>>
        %dma_wait3A_796 = tpu.memref_squeeze %dma_wait3A_795 : memref<1x50x64xf32, #tpu.memory_space<hbm>> -> memref<50x64xf32, #tpu.memory_space<hbm>>
        %dma_wait3A_797 = arith.constant 50 : i32
        %dma_wait3A_798 = arith.constant 0 : i32
        %dma_wait3A_799 = tpu.memref_slice %arg6[%dma_wait3A_784, %dma_wait3A_797, %dma_wait3A_798] : memref<2x400x64xf32, #tpu.memory_space<vmem>> -> memref<1x50x64xf32, #tpu.memory_space<vmem>>
        %dma_wait3A_800 = tpu.memref_squeeze %dma_wait3A_799 : memref<1x50x64xf32, #tpu.memory_space<vmem>> -> memref<50x64xf32, #tpu.memory_space<vmem>>
        tpu.wait_dma2 semaphore(%arg10 : memref<!tpu.dma_semaphore, #tpu.memory_space<semaphore_mem>>) src(%dma_wait3A_800 : memref<50x64xf32, #tpu.memory_space<vmem>>) dst(%dma_wait3A_796 : memref<50x64xf32, #tpu.memory_space<hbm>>)
        %mul3A_801 = arith.constant 8 : i32
        %mul3A_802 = arith.muli %add3A_562, %mul3A_801 : i32
        %add3A_803 = arith.addi %mul3A_4, %mul3A_802 : i32
        %add3A_804 = arith.constant 2 : i32
        %add3A_805 = arith.addi %add3A_803, %add3A_804 : i32
        %dma_wait3A_806 = arith.constant 1 : i32
        %dma_wait3A_807 = arith.constant 100 : i32
        %dma_wait3A_808 = arith.constant 0 : i32
        %dma_wait3A_809 = tpu.memref_slice %arg6[%dma_wait3A_806, %dma_wait3A_807, %dma_wait3A_808] : memref<2x400x64xf32, #tpu.memory_space<vmem>> -> memref<1x50x64xf32, #tpu.memory_space<vmem>>
        %dma_wait3A_810 = tpu.memref_squeeze %dma_wait3A_809 : memref<1x50x64xf32, #tpu.memory_space<vmem>> -> memref<50x64xf32, #tpu.memory_space<vmem>>
        %dma_wait3A_811 = arith.constant 0 : i32
        %dma_wait3A_812 = arith.constant 0 : i32
        %dma_wait3A_813 = tpu.memref_slice %arg4[%add3A_805, %dma_wait3A_811, %dma_wait3A_812] : memref<16384x50x64xf32, #tpu.memory_space<hbm>> -> memref<1x50x64xf32, #tpu.memory_space<hbm>>
        %dma_wait3A_814 = tpu.memref_squeeze %dma_wait3A_813 : memref<1x50x64xf32, #tpu.memory_space<hbm>> -> memref<50x64xf32, #tpu.memory_space<hbm>>
        %dma_wait3A_815 = arith.constant 0 : i32
        %dma_wait3A_816 = arith.constant 0 : i32
        %dma_wait3A_817 = tpu.memref_slice %arg4[%add3A_805, %dma_wait3A_815, %dma_wait3A_816] : memref<16384x50x64xf32, #tpu.memory_space<hbm>> -> memref<1x50x64xf32, #tpu.memory_space<hbm>>
        %dma_wait3A_818 = tpu.memref_squeeze %dma_wait3A_817 : memref<1x50x64xf32, #tpu.memory_space<hbm>> -> memref<50x64xf32, #tpu.memory_space<hbm>>
        %dma_wait3A_819 = arith.constant 100 : i32
        %dma_wait3A_820 = arith.constant 0 : i32
        %dma_wait3A_821 = tpu.memref_slice %arg6[%dma_wait3A_806, %dma_wait3A_819, %dma_wait3A_820] : memref<2x400x64xf32, #tpu.memory_space<vmem>> -> memref<1x50x64xf32, #tpu.memory_space<vmem>>
        %dma_wait3A_822 = tpu.memref_squeeze %dma_wait3A_821 : memref<1x50x64xf32, #tpu.memory_space<vmem>> -> memref<50x64xf32, #tpu.memory_space<vmem>>
        tpu.wait_dma2 semaphore(%arg10 : memref<!tpu.dma_semaphore, #tpu.memory_space<semaphore_mem>>) src(%dma_wait3A_822 : memref<50x64xf32, #tpu.memory_space<vmem>>) dst(%dma_wait3A_818 : memref<50x64xf32, #tpu.memory_space<hbm>>)
        %mul3A_823 = arith.constant 8 : i32
        %mul3A_824 = arith.muli %add3A_562, %mul3A_823 : i32
        %add3A_825 = arith.addi %mul3A_4, %mul3A_824 : i32
        %add3A_826 = arith.constant 3 : i32
        %add3A_827 = arith.addi %add3A_825, %add3A_826 : i32
        %dma_wait3A_828 = arith.constant 1 : i32
        %dma_wait3A_829 = arith.constant 150 : i32
        %dma_wait3A_830 = arith.constant 0 : i32
        %dma_wait3A_831 = tpu.memref_slice %arg6[%dma_wait3A_828, %dma_wait3A_829, %dma_wait3A_830] : memref<2x400x64xf32, #tpu.memory_space<vmem>> -> memref<1x50x64xf32, #tpu.memory_space<vmem>>
        %dma_wait3A_832 = tpu.memref_squeeze %dma_wait3A_831 : memref<1x50x64xf32, #tpu.memory_space<vmem>> -> memref<50x64xf32, #tpu.memory_space<vmem>>
        %dma_wait3A_833 = arith.constant 0 : i32
        %dma_wait3A_834 = arith.constant 0 : i32
        %dma_wait3A_835 = tpu.memref_slice %arg4[%add3A_827, %dma_wait3A_833, %dma_wait3A_834] : memref<16384x50x64xf32, #tpu.memory_space<hbm>> -> memref<1x50x64xf32, #tpu.memory_space<hbm>>
        %dma_wait3A_836 = tpu.memref_squeeze %dma_wait3A_835 : memref<1x50x64xf32, #tpu.memory_space<hbm>> -> memref<50x64xf32, #tpu.memory_space<hbm>>
        %dma_wait3A_837 = arith.constant 0 : i32
        %dma_wait3A_838 = arith.constant 0 : i32
        %dma_wait3A_839 = tpu.memref_slice %arg4[%add3A_827, %dma_wait3A_837, %dma_wait3A_838] : memref<16384x50x64xf32, #tpu.memory_space<hbm>> -> memref<1x50x64xf32, #tpu.memory_space<hbm>>
        %dma_wait3A_840 = tpu.memref_squeeze %dma_wait3A_839 : memref<1x50x64xf32, #tpu.memory_space<hbm>> -> memref<50x64xf32, #tpu.memory_space<hbm>>
        %dma_wait3A_841 = arith.constant 150 : i32
        %dma_wait3A_842 = arith.constant 0 : i32
        %dma_wait3A_843 = tpu.memref_slice %arg6[%dma_wait3A_828, %dma_wait3A_841, %dma_wait3A_842] : memref<2x400x64xf32, #tpu.memory_space<vmem>> -> memref<1x50x64xf32, #tpu.memory_space<vmem>>
        %dma_wait3A_844 = tpu.memref_squeeze %dma_wait3A_843 : memref<1x50x64xf32, #tpu.memory_space<vmem>> -> memref<50x64xf32, #tpu.memory_space<vmem>>
        tpu.wait_dma2 semaphore(%arg10 : memref<!tpu.dma_semaphore, #tpu.memory_space<semaphore_mem>>) src(%dma_wait3A_844 : memref<50x64xf32, #tpu.memory_space<vmem>>) dst(%dma_wait3A_840 : memref<50x64xf32, #tpu.memory_space<hbm>>)
        %mul3A_845 = arith.constant 8 : i32
        %mul3A_846 = arith.muli %add3A_562, %mul3A_845 : i32
        %add3A_847 = arith.addi %mul3A_4, %mul3A_846 : i32
        %add3A_848 = arith.constant 4 : i32
        %add3A_849 = arith.addi %add3A_847, %add3A_848 : i32
        %dma_wait3A_850 = arith.constant 1 : i32
        %dma_wait3A_851 = arith.constant 200 : i32
        %dma_wait3A_852 = arith.constant 0 : i32
        %dma_wait3A_853 = tpu.memref_slice %arg6[%dma_wait3A_850, %dma_wait3A_851, %dma_wait3A_852] : memref<2x400x64xf32, #tpu.memory_space<vmem>> -> memref<1x50x64xf32, #tpu.memory_space<vmem>>
        %dma_wait3A_854 = tpu.memref_squeeze %dma_wait3A_853 : memref<1x50x64xf32, #tpu.memory_space<vmem>> -> memref<50x64xf32, #tpu.memory_space<vmem>>
        %dma_wait3A_855 = arith.constant 0 : i32
        %dma_wait3A_856 = arith.constant 0 : i32
        %dma_wait3A_857 = tpu.memref_slice %arg4[%add3A_849, %dma_wait3A_855, %dma_wait3A_856] : memref<16384x50x64xf32, #tpu.memory_space<hbm>> -> memref<1x50x64xf32, #tpu.memory_space<hbm>>
        %dma_wait3A_858 = tpu.memref_squeeze %dma_wait3A_857 : memref<1x50x64xf32, #tpu.memory_space<hbm>> -> memref<50x64xf32, #tpu.memory_space<hbm>>
        %dma_wait3A_859 = arith.constant 0 : i32
        %dma_wait3A_860 = arith.constant 0 : i32
        %dma_wait3A_861 = tpu.memref_slice %arg4[%add3A_849, %dma_wait3A_859, %dma_wait3A_860] : memref<16384x50x64xf32, #tpu.memory_space<hbm>> -> memref<1x50x64xf32, #tpu.memory_space<hbm>>
        %dma_wait3A_862 = tpu.memref_squeeze %dma_wait3A_861 : memref<1x50x64xf32, #tpu.memory_space<hbm>> -> memref<50x64xf32, #tpu.memory_space<hbm>>
        %dma_wait3A_863 = arith.constant 200 : i32
        %dma_wait3A_864 = arith.constant 0 : i32
        %dma_wait3A_865 = tpu.memref_slice %arg6[%dma_wait3A_850, %dma_wait3A_863, %dma_wait3A_864] : memref<2x400x64xf32, #tpu.memory_space<vmem>> -> memref<1x50x64xf32, #tpu.memory_space<vmem>>
        %dma_wait3A_866 = tpu.memref_squeeze %dma_wait3A_865 : memref<1x50x64xf32, #tpu.memory_space<vmem>> -> memref<50x64xf32, #tpu.memory_space<vmem>>
        tpu.wait_dma2 semaphore(%arg10 : memref<!tpu.dma_semaphore, #tpu.memory_space<semaphore_mem>>) src(%dma_wait3A_866 : memref<50x64xf32, #tpu.memory_space<vmem>>) dst(%dma_wait3A_862 : memref<50x64xf32, #tpu.memory_space<hbm>>)
        %mul3A_867 = arith.constant 8 : i32
        %mul3A_868 = arith.muli %add3A_562, %mul3A_867 : i32
        %add3A_869 = arith.addi %mul3A_4, %mul3A_868 : i32
        %add3A_870 = arith.constant 5 : i32
        %add3A_871 = arith.addi %add3A_869, %add3A_870 : i32
        %dma_wait3A_872 = arith.constant 1 : i32
        %dma_wait3A_873 = arith.constant 250 : i32
        %dma_wait3A_874 = arith.constant 0 : i32
        %dma_wait3A_875 = tpu.memref_slice %arg6[%dma_wait3A_872, %dma_wait3A_873, %dma_wait3A_874] : memref<2x400x64xf32, #tpu.memory_space<vmem>> -> memref<1x50x64xf32, #tpu.memory_space<vmem>>
        %dma_wait3A_876 = tpu.memref_squeeze %dma_wait3A_875 : memref<1x50x64xf32, #tpu.memory_space<vmem>> -> memref<50x64xf32, #tpu.memory_space<vmem>>
        %dma_wait3A_877 = arith.constant 0 : i32
        %dma_wait3A_878 = arith.constant 0 : i32
        %dma_wait3A_879 = tpu.memref_slice %arg4[%add3A_871, %dma_wait3A_877, %dma_wait3A_878] : memref<16384x50x64xf32, #tpu.memory_space<hbm>> -> memref<1x50x64xf32, #tpu.memory_space<hbm>>
        %dma_wait3A_880 = tpu.memref_squeeze %dma_wait3A_879 : memref<1x50x64xf32, #tpu.memory_space<hbm>> -> memref<50x64xf32, #tpu.memory_space<hbm>>
        %dma_wait3A_881 = arith.constant 0 : i32
        %dma_wait3A_882 = arith.constant 0 : i32
        %dma_wait3A_883 = tpu.memref_slice %arg4[%add3A_871, %dma_wait3A_881, %dma_wait3A_882] : memref<16384x50x64xf32, #tpu.memory_space<hbm>> -> memref<1x50x64xf32, #tpu.memory_space<hbm>>
        %dma_wait3A_884 = tpu.memref_squeeze %dma_wait3A_883 : memref<1x50x64xf32, #tpu.memory_space<hbm>> -> memref<50x64xf32, #tpu.memory_space<hbm>>
        %dma_wait3A_885 = arith.constant 250 : i32
        %dma_wait3A_886 = arith.constant 0 : i32
        %dma_wait3A_887 = tpu.memref_slice %arg6[%dma_wait3A_872, %dma_wait3A_885, %dma_wait3A_886] : memref<2x400x64xf32, #tpu.memory_space<vmem>> -> memref<1x50x64xf32, #tpu.memory_space<vmem>>
        %dma_wait3A_888 = tpu.memref_squeeze %dma_wait3A_887 : memref<1x50x64xf32, #tpu.memory_space<vmem>> -> memref<50x64xf32, #tpu.memory_space<vmem>>
        tpu.wait_dma2 semaphore(%arg10 : memref<!tpu.dma_semaphore, #tpu.memory_space<semaphore_mem>>) src(%dma_wait3A_888 : memref<50x64xf32, #tpu.memory_space<vmem>>) dst(%dma_wait3A_884 : memref<50x64xf32, #tpu.memory_space<hbm>>)
        %mul3A_889 = arith.constant 8 : i32
        %mul3A_890 = arith.muli %add3A_562, %mul3A_889 : i32
        %add3A_891 = arith.addi %mul3A_4, %mul3A_890 : i32
        %add3A_892 = arith.constant 6 : i32
        %add3A_893 = arith.addi %add3A_891, %add3A_892 : i32
        %dma_wait3A_894 = arith.constant 1 : i32
        %dma_wait3A_895 = arith.constant 300 : i32
        %dma_wait3A_896 = arith.constant 0 : i32
        %dma_wait3A_897 = tpu.memref_slice %arg6[%dma_wait3A_894, %dma_wait3A_895, %dma_wait3A_896] : memref<2x400x64xf32, #tpu.memory_space<vmem>> -> memref<1x50x64xf32, #tpu.memory_space<vmem>>
        %dma_wait3A_898 = tpu.memref_squeeze %dma_wait3A_897 : memref<1x50x64xf32, #tpu.memory_space<vmem>> -> memref<50x64xf32, #tpu.memory_space<vmem>>
        %dma_wait3A_899 = arith.constant 0 : i32
        %dma_wait3A_900 = arith.constant 0 : i32
        %dma_wait3A_901 = tpu.memref_slice %arg4[%add3A_893, %dma_wait3A_899, %dma_wait3A_900] : memref<16384x50x64xf32, #tpu.memory_space<hbm>> -> memref<1x50x64xf32, #tpu.memory_space<hbm>>
        %dma_wait3A_902 = tpu.memref_squeeze %dma_wait3A_901 : memref<1x50x64xf32, #tpu.memory_space<hbm>> -> memref<50x64xf32, #tpu.memory_space<hbm>>
        %dma_wait3A_903 = arith.constant 0 : i32
        %dma_wait3A_904 = arith.constant 0 : i32
        %dma_wait3A_905 = tpu.memref_slice %arg4[%add3A_893, %dma_wait3A_903, %dma_wait3A_904] : memref<16384x50x64xf32, #tpu.memory_space<hbm>> -> memref<1x50x64xf32, #tpu.memory_space<hbm>>
        %dma_wait3A_906 = tpu.memref_squeeze %dma_wait3A_905 : memref<1x50x64xf32, #tpu.memory_space<hbm>> -> memref<50x64xf32, #tpu.memory_space<hbm>>
        %dma_wait3A_907 = arith.constant 300 : i32
        %dma_wait3A_908 = arith.constant 0 : i32
        %dma_wait3A_909 = tpu.memref_slice %arg6[%dma_wait3A_894, %dma_wait3A_907, %dma_wait3A_908] : memref<2x400x64xf32, #tpu.memory_space<vmem>> -> memref<1x50x64xf32, #tpu.memory_space<vmem>>
        %dma_wait3A_910 = tpu.memref_squeeze %dma_wait3A_909 : memref<1x50x64xf32, #tpu.memory_space<vmem>> -> memref<50x64xf32, #tpu.memory_space<vmem>>
        tpu.wait_dma2 semaphore(%arg10 : memref<!tpu.dma_semaphore, #tpu.memory_space<semaphore_mem>>) src(%dma_wait3A_910 : memref<50x64xf32, #tpu.memory_space<vmem>>) dst(%dma_wait3A_906 : memref<50x64xf32, #tpu.memory_space<hbm>>)
        %mul3A_911 = arith.constant 8 : i32
        %mul3A_912 = arith.muli %add3A_562, %mul3A_911 : i32
        %add3A_913 = arith.addi %mul3A_4, %mul3A_912 : i32
        %add3A_914 = arith.constant 7 : i32
        %add3A_915 = arith.addi %add3A_913, %add3A_914 : i32
        %dma_wait3A_916 = arith.constant 1 : i32
        %dma_wait3A_917 = arith.constant 350 : i32
        %dma_wait3A_918 = arith.constant 0 : i32
        %dma_wait3A_919 = tpu.memref_slice %arg6[%dma_wait3A_916, %dma_wait3A_917, %dma_wait3A_918] : memref<2x400x64xf32, #tpu.memory_space<vmem>> -> memref<1x50x64xf32, #tpu.memory_space<vmem>>
        %dma_wait3A_920 = tpu.memref_squeeze %dma_wait3A_919 : memref<1x50x64xf32, #tpu.memory_space<vmem>> -> memref<50x64xf32, #tpu.memory_space<vmem>>
        %dma_wait3A_921 = arith.constant 0 : i32
        %dma_wait3A_922 = arith.constant 0 : i32
        %dma_wait3A_923 = tpu.memref_slice %arg4[%add3A_915, %dma_wait3A_921, %dma_wait3A_922] : memref<16384x50x64xf32, #tpu.memory_space<hbm>> -> memref<1x50x64xf32, #tpu.memory_space<hbm>>
        %dma_wait3A_924 = tpu.memref_squeeze %dma_wait3A_923 : memref<1x50x64xf32, #tpu.memory_space<hbm>> -> memref<50x64xf32, #tpu.memory_space<hbm>>
        %dma_wait3A_925 = arith.constant 0 : i32
        %dma_wait3A_926 = arith.constant 0 : i32
        %dma_wait3A_927 = tpu.memref_slice %arg4[%add3A_915, %dma_wait3A_925, %dma_wait3A_926] : memref<16384x50x64xf32, #tpu.memory_space<hbm>> -> memref<1x50x64xf32, #tpu.memory_space<hbm>>
        %dma_wait3A_928 = tpu.memref_squeeze %dma_wait3A_927 : memref<1x50x64xf32, #tpu.memory_space<hbm>> -> memref<50x64xf32, #tpu.memory_space<hbm>>
        %dma_wait3A_929 = arith.constant 350 : i32
        %dma_wait3A_930 = arith.constant 0 : i32
        %dma_wait3A_931 = tpu.memref_slice %arg6[%dma_wait3A_916, %dma_wait3A_929, %dma_wait3A_930] : memref<2x400x64xf32, #tpu.memory_space<vmem>> -> memref<1x50x64xf32, #tpu.memory_space<vmem>>
        %dma_wait3A_932 = tpu.memref_squeeze %dma_wait3A_931 : memref<1x50x64xf32, #tpu.memory_space<vmem>> -> memref<50x64xf32, #tpu.memory_space<vmem>>
        tpu.wait_dma2 semaphore(%arg10 : memref<!tpu.dma_semaphore, #tpu.memory_space<semaphore_mem>>) src(%dma_wait3A_932 : memref<50x64xf32, #tpu.memory_space<vmem>>) dst(%dma_wait3A_928 : memref<50x64xf32, #tpu.memory_space<hbm>>)
        %add3A_933 = arith.constant 2 : i32
        %add3A_934 = arith.addi %add3A_562, %add3A_933 : i32
        %mul3A_935 = arith.constant 400 : i32
        %mul3A_936 = arith.muli %add3A_934, %mul3A_935 : i32
        %dma_start3A_937 = arith.constant 1 : i32
        %dma_start3A_938 = arith.constant 0 : i32
        %dma_start3A_939 = arith.constant 0 : i32
        %dma_start3A_940 = tpu.memref_slice %arg6[%dma_start3A_937, %dma_start3A_938, %dma_start3A_939] : memref<2x400x64xf32, #tpu.memory_space<vmem>> -> memref<1x400x64xf32, #tpu.memory_space<vmem>>
        %dma_start3A_941 = tpu.memref_squeeze %dma_start3A_940 : memref<1x400x64xf32, #tpu.memory_space<vmem>> -> memref<400x64xf32, #tpu.memory_space<vmem>>
        %dma_start3A_942 = tpu.memref_slice %arg5[%mul3A_936] : memref<25600xi32, #tpu.memory_space<vmem>> -> memref<400xi32, #tpu.memory_space<vmem>>
        %dma_start3A_943 = arith.constant 0 : i32
        %dma_start3A_944 = arith.constant 0 : i32
        %dma_start3A_945 = tpu.memref_slice %arg2[%dma_start3A_943, %dma_start3A_944] : memref<1000000x64xf32, #tpu.memory_space<hbm>> -> memref<1000000x64xf32, #tpu.memory_space<hbm>>
        tpu.enqueue_indirect_dma source(%dma_start3A_945 : memref<1000000x64xf32, #tpu.memory_space<hbm>>) target(%dma_start3A_941 : memref<400x64xf32, #tpu.memory_space<vmem>>) offsets(%dma_start3A_942 : memref<400xi32, #tpu.memory_space<vmem>>) semaphore(%arg8 : memref<!tpu.dma_semaphore, #tpu.memory_space<semaphore_mem>>)
      } else {
      }
    }
    %scan3A_27 = arith.constant 32 : i32
    %add3A_28 = arith.constant 496 : i32
    %add3A_29 = arith.addi %mul3A_4, %add3A_28 : i32
    %add3A_30 = arith.constant 0 : i32
    %add3A_31 = arith.addi %add3A_29, %add3A_30 : i32
    %dma_wait3A = arith.constant 0 : i32
    %dma_wait3A_32 = arith.constant 0 : i32
    %dma_wait3A_33 = arith.constant 0 : i32
    %dma_wait3A_34 = tpu.memref_slice %arg6[%dma_wait3A, %dma_wait3A_32, %dma_wait3A_33] : memref<2x400x64xf32, #tpu.memory_space<vmem>> -> memref<1x50x64xf32, #tpu.memory_space<vmem>>
    %dma_wait3A_35 = tpu.memref_squeeze %dma_wait3A_34 : memref<1x50x64xf32, #tpu.memory_space<vmem>> -> memref<50x64xf32, #tpu.memory_space<vmem>>
    %dma_wait3A_36 = arith.constant 0 : i32
    %dma_wait3A_37 = arith.constant 0 : i32
    %dma_wait3A_38 = tpu.memref_slice %arg4[%add3A_31, %dma_wait3A_36, %dma_wait3A_37] : memref<16384x50x64xf32, #tpu.memory_space<hbm>> -> memref<1x50x64xf32, #tpu.memory_space<hbm>>
    %dma_wait3A_39 = tpu.memref_squeeze %dma_wait3A_38 : memref<1x50x64xf32, #tpu.memory_space<hbm>> -> memref<50x64xf32, #tpu.memory_space<hbm>>
    %dma_wait3A_40 = arith.constant 0 : i32
    %dma_wait3A_41 = arith.constant 0 : i32
    %dma_wait3A_42 = tpu.memref_slice %arg4[%add3A_31, %dma_wait3A_40, %dma_wait3A_41] : memref<16384x50x64xf32, #tpu.memory_space<hbm>> -> memref<1x50x64xf32, #tpu.memory_space<hbm>>
    %dma_wait3A_43 = tpu.memref_squeeze %dma_wait3A_42 : memref<1x50x64xf32, #tpu.memory_space<hbm>> -> memref<50x64xf32, #tpu.memory_space<hbm>>
    %dma_wait3A_44 = arith.constant 0 : i32
    %dma_wait3A_45 = arith.constant 0 : i32
    %dma_wait3A_46 = tpu.memref_slice %arg6[%dma_wait3A, %dma_wait3A_44, %dma_wait3A_45] : memref<2x400x64xf32, #tpu.memory_space<vmem>> -> memref<1x50x64xf32, #tpu.memory_space<vmem>>
    %dma_wait3A_47 = tpu.memref_squeeze %dma_wait3A_46 : memref<1x50x64xf32, #tpu.memory_space<vmem>> -> memref<50x64xf32, #tpu.memory_space<vmem>>
    tpu.wait_dma2 semaphore(%arg9 : memref<!tpu.dma_semaphore, #tpu.memory_space<semaphore_mem>>) src(%dma_wait3A_47 : memref<50x64xf32, #tpu.memory_space<vmem>>) dst(%dma_wait3A_43 : memref<50x64xf32, #tpu.memory_space<hbm>>)
    %add3A_48 = arith.constant 496 : i32
    %add3A_49 = arith.addi %mul3A_4, %add3A_48 : i32
    %add3A_50 = arith.constant 1 : i32
    %add3A_51 = arith.addi %add3A_49, %add3A_50 : i32
    %dma_wait3A_52 = arith.constant 0 : i32
    %dma_wait3A_53 = arith.constant 50 : i32
    %dma_wait3A_54 = arith.constant 0 : i32
    %dma_wait3A_55 = tpu.memref_slice %arg6[%dma_wait3A_52, %dma_wait3A_53, %dma_wait3A_54] : memref<2x400x64xf32, #tpu.memory_space<vmem>> -> memref<1x50x64xf32, #tpu.memory_space<vmem>>
    %dma_wait3A_56 = tpu.memref_squeeze %dma_wait3A_55 : memref<1x50x64xf32, #tpu.memory_space<vmem>> -> memref<50x64xf32, #tpu.memory_space<vmem>>
    %dma_wait3A_57 = arith.constant 0 : i32
    %dma_wait3A_58 = arith.constant 0 : i32
    %dma_wait3A_59 = tpu.memref_slice %arg4[%add3A_51, %dma_wait3A_57, %dma_wait3A_58] : memref<16384x50x64xf32, #tpu.memory_space<hbm>> -> memref<1x50x64xf32, #tpu.memory_space<hbm>>
    %dma_wait3A_60 = tpu.memref_squeeze %dma_wait3A_59 : memref<1x50x64xf32, #tpu.memory_space<hbm>> -> memref<50x64xf32, #tpu.memory_space<hbm>>
    %dma_wait3A_61 = arith.constant 0 : i32
    %dma_wait3A_62 = arith.constant 0 : i32
    %dma_wait3A_63 = tpu.memref_slice %arg4[%add3A_51, %dma_wait3A_61, %dma_wait3A_62] : memref<16384x50x64xf32, #tpu.memory_space<hbm>> -> memref<1x50x64xf32, #tpu.memory_space<hbm>>
    %dma_wait3A_64 = tpu.memref_squeeze %dma_wait3A_63 : memref<1x50x64xf32, #tpu.memory_space<hbm>> -> memref<50x64xf32, #tpu.memory_space<hbm>>
    %dma_wait3A_65 = arith.constant 50 : i32
    %dma_wait3A_66 = arith.constant 0 : i32
    %dma_wait3A_67 = tpu.memref_slice %arg6[%dma_wait3A_52, %dma_wait3A_65, %dma_wait3A_66] : memref<2x400x64xf32, #tpu.memory_space<vmem>> -> memref<1x50x64xf32, #tpu.memory_space<vmem>>
    %dma_wait3A_68 = tpu.memref_squeeze %dma_wait3A_67 : memref<1x50x64xf32, #tpu.memory_space<vmem>> -> memref<50x64xf32, #tpu.memory_space<vmem>>
    tpu.wait_dma2 semaphore(%arg9 : memref<!tpu.dma_semaphore, #tpu.memory_space<semaphore_mem>>) src(%dma_wait3A_68 : memref<50x64xf32, #tpu.memory_space<vmem>>) dst(%dma_wait3A_64 : memref<50x64xf32, #tpu.memory_space<hbm>>)
    %add3A_69 = arith.constant 496 : i32
    %add3A_70 = arith.addi %mul3A_4, %add3A_69 : i32
    %add3A_71 = arith.constant 2 : i32
    %add3A_72 = arith.addi %add3A_70, %add3A_71 : i32
    %dma_wait3A_73 = arith.constant 0 : i32
    %dma_wait3A_74 = arith.constant 100 : i32
    %dma_wait3A_75 = arith.constant 0 : i32
    %dma_wait3A_76 = tpu.memref_slice %arg6[%dma_wait3A_73, %dma_wait3A_74, %dma_wait3A_75] : memref<2x400x64xf32, #tpu.memory_space<vmem>> -> memref<1x50x64xf32, #tpu.memory_space<vmem>>
    %dma_wait3A_77 = tpu.memref_squeeze %dma_wait3A_76 : memref<1x50x64xf32, #tpu.memory_space<vmem>> -> memref<50x64xf32, #tpu.memory_space<vmem>>
    %dma_wait3A_78 = arith.constant 0 : i32
    %dma_wait3A_79 = arith.constant 0 : i32
    %dma_wait3A_80 = tpu.memref_slice %arg4[%add3A_72, %dma_wait3A_78, %dma_wait3A_79] : memref<16384x50x64xf32, #tpu.memory_space<hbm>> -> memref<1x50x64xf32, #tpu.memory_space<hbm>>
    %dma_wait3A_81 = tpu.memref_squeeze %dma_wait3A_80 : memref<1x50x64xf32, #tpu.memory_space<hbm>> -> memref<50x64xf32, #tpu.memory_space<hbm>>
    %dma_wait3A_82 = arith.constant 0 : i32
    %dma_wait3A_83 = arith.constant 0 : i32
    %dma_wait3A_84 = tpu.memref_slice %arg4[%add3A_72, %dma_wait3A_82, %dma_wait3A_83] : memref<16384x50x64xf32, #tpu.memory_space<hbm>> -> memref<1x50x64xf32, #tpu.memory_space<hbm>>
    %dma_wait3A_85 = tpu.memref_squeeze %dma_wait3A_84 : memref<1x50x64xf32, #tpu.memory_space<hbm>> -> memref<50x64xf32, #tpu.memory_space<hbm>>
    %dma_wait3A_86 = arith.constant 100 : i32
    %dma_wait3A_87 = arith.constant 0 : i32
    %dma_wait3A_88 = tpu.memref_slice %arg6[%dma_wait3A_73, %dma_wait3A_86, %dma_wait3A_87] : memref<2x400x64xf32, #tpu.memory_space<vmem>> -> memref<1x50x64xf32, #tpu.memory_space<vmem>>
    %dma_wait3A_89 = tpu.memref_squeeze %dma_wait3A_88 : memref<1x50x64xf32, #tpu.memory_space<vmem>> -> memref<50x64xf32, #tpu.memory_space<vmem>>
    tpu.wait_dma2 semaphore(%arg9 : memref<!tpu.dma_semaphore, #tpu.memory_space<semaphore_mem>>) src(%dma_wait3A_89 : memref<50x64xf32, #tpu.memory_space<vmem>>) dst(%dma_wait3A_85 : memref<50x64xf32, #tpu.memory_space<hbm>>)
    %add3A_90 = arith.constant 496 : i32
    %add3A_91 = arith.addi %mul3A_4, %add3A_90 : i32
    %add3A_92 = arith.constant 3 : i32
    %add3A_93 = arith.addi %add3A_91, %add3A_92 : i32
    %dma_wait3A_94 = arith.constant 0 : i32
    %dma_wait3A_95 = arith.constant 150 : i32
    %dma_wait3A_96 = arith.constant 0 : i32
    %dma_wait3A_97 = tpu.memref_slice %arg6[%dma_wait3A_94, %dma_wait3A_95, %dma_wait3A_96] : memref<2x400x64xf32, #tpu.memory_space<vmem>> -> memref<1x50x64xf32, #tpu.memory_space<vmem>>
    %dma_wait3A_98 = tpu.memref_squeeze %dma_wait3A_97 : memref<1x50x64xf32, #tpu.memory_space<vmem>> -> memref<50x64xf32, #tpu.memory_space<vmem>>
    %dma_wait3A_99 = arith.constant 0 : i32
    %dma_wait3A_100 = arith.constant 0 : i32
    %dma_wait3A_101 = tpu.memref_slice %arg4[%add3A_93, %dma_wait3A_99, %dma_wait3A_100] : memref<16384x50x64xf32, #tpu.memory_space<hbm>> -> memref<1x50x64xf32, #tpu.memory_space<hbm>>
    %dma_wait3A_102 = tpu.memref_squeeze %dma_wait3A_101 : memref<1x50x64xf32, #tpu.memory_space<hbm>> -> memref<50x64xf32, #tpu.memory_space<hbm>>
    %dma_wait3A_103 = arith.constant 0 : i32
    %dma_wait3A_104 = arith.constant 0 : i32
    %dma_wait3A_105 = tpu.memref_slice %arg4[%add3A_93, %dma_wait3A_103, %dma_wait3A_104] : memref<16384x50x64xf32, #tpu.memory_space<hbm>> -> memref<1x50x64xf32, #tpu.memory_space<hbm>>
    %dma_wait3A_106 = tpu.memref_squeeze %dma_wait3A_105 : memref<1x50x64xf32, #tpu.memory_space<hbm>> -> memref<50x64xf32, #tpu.memory_space<hbm>>
    %dma_wait3A_107 = arith.constant 150 : i32
    %dma_wait3A_108 = arith.constant 0 : i32
    %dma_wait3A_109 = tpu.memref_slice %arg6[%dma_wait3A_94, %dma_wait3A_107, %dma_wait3A_108] : memref<2x400x64xf32, #tpu.memory_space<vmem>> -> memref<1x50x64xf32, #tpu.memory_space<vmem>>
    %dma_wait3A_110 = tpu.memref_squeeze %dma_wait3A_109 : memref<1x50x64xf32, #tpu.memory_space<vmem>> -> memref<50x64xf32, #tpu.memory_space<vmem>>
    tpu.wait_dma2 semaphore(%arg9 : memref<!tpu.dma_semaphore, #tpu.memory_space<semaphore_mem>>) src(%dma_wait3A_110 : memref<50x64xf32, #tpu.memory_space<vmem>>) dst(%dma_wait3A_106 : memref<50x64xf32, #tpu.memory_space<hbm>>)
    %add3A_111 = arith.constant 496 : i32
    %add3A_112 = arith.addi %mul3A_4, %add3A_111 : i32
    %add3A_113 = arith.constant 4 : i32
    %add3A_114 = arith.addi %add3A_112, %add3A_113 : i32
    %dma_wait3A_115 = arith.constant 0 : i32
    %dma_wait3A_116 = arith.constant 200 : i32
    %dma_wait3A_117 = arith.constant 0 : i32
    %dma_wait3A_118 = tpu.memref_slice %arg6[%dma_wait3A_115, %dma_wait3A_116, %dma_wait3A_117] : memref<2x400x64xf32, #tpu.memory_space<vmem>> -> memref<1x50x64xf32, #tpu.memory_space<vmem>>
    %dma_wait3A_119 = tpu.memref_squeeze %dma_wait3A_118 : memref<1x50x64xf32, #tpu.memory_space<vmem>> -> memref<50x64xf32, #tpu.memory_space<vmem>>
    %dma_wait3A_120 = arith.constant 0 : i32
    %dma_wait3A_121 = arith.constant 0 : i32
    %dma_wait3A_122 = tpu.memref_slice %arg4[%add3A_114, %dma_wait3A_120, %dma_wait3A_121] : memref<16384x50x64xf32, #tpu.memory_space<hbm>> -> memref<1x50x64xf32, #tpu.memory_space<hbm>>
    %dma_wait3A_123 = tpu.memref_squeeze %dma_wait3A_122 : memref<1x50x64xf32, #tpu.memory_space<hbm>> -> memref<50x64xf32, #tpu.memory_space<hbm>>
    %dma_wait3A_124 = arith.constant 0 : i32
    %dma_wait3A_125 = arith.constant 0 : i32
    %dma_wait3A_126 = tpu.memref_slice %arg4[%add3A_114, %dma_wait3A_124, %dma_wait3A_125] : memref<16384x50x64xf32, #tpu.memory_space<hbm>> -> memref<1x50x64xf32, #tpu.memory_space<hbm>>
    %dma_wait3A_127 = tpu.memref_squeeze %dma_wait3A_126 : memref<1x50x64xf32, #tpu.memory_space<hbm>> -> memref<50x64xf32, #tpu.memory_space<hbm>>
    %dma_wait3A_128 = arith.constant 200 : i32
    %dma_wait3A_129 = arith.constant 0 : i32
    %dma_wait3A_130 = tpu.memref_slice %arg6[%dma_wait3A_115, %dma_wait3A_128, %dma_wait3A_129] : memref<2x400x64xf32, #tpu.memory_space<vmem>> -> memref<1x50x64xf32, #tpu.memory_space<vmem>>
    %dma_wait3A_131 = tpu.memref_squeeze %dma_wait3A_130 : memref<1x50x64xf32, #tpu.memory_space<vmem>> -> memref<50x64xf32, #tpu.memory_space<vmem>>
    tpu.wait_dma2 semaphore(%arg9 : memref<!tpu.dma_semaphore, #tpu.memory_space<semaphore_mem>>) src(%dma_wait3A_131 : memref<50x64xf32, #tpu.memory_space<vmem>>) dst(%dma_wait3A_127 : memref<50x64xf32, #tpu.memory_space<hbm>>)
    %add3A_132 = arith.constant 496 : i32
    %add3A_133 = arith.addi %mul3A_4, %add3A_132 : i32
    %add3A_134 = arith.constant 5 : i32
    %add3A_135 = arith.addi %add3A_133, %add3A_134 : i32
    %dma_wait3A_136 = arith.constant 0 : i32
    %dma_wait3A_137 = arith.constant 250 : i32
    %dma_wait3A_138 = arith.constant 0 : i32
    %dma_wait3A_139 = tpu.memref_slice %arg6[%dma_wait3A_136, %dma_wait3A_137, %dma_wait3A_138] : memref<2x400x64xf32, #tpu.memory_space<vmem>> -> memref<1x50x64xf32, #tpu.memory_space<vmem>>
    %dma_wait3A_140 = tpu.memref_squeeze %dma_wait3A_139 : memref<1x50x64xf32, #tpu.memory_space<vmem>> -> memref<50x64xf32, #tpu.memory_space<vmem>>
    %dma_wait3A_141 = arith.constant 0 : i32
    %dma_wait3A_142 = arith.constant 0 : i32
    %dma_wait3A_143 = tpu.memref_slice %arg4[%add3A_135, %dma_wait3A_141, %dma_wait3A_142] : memref<16384x50x64xf32, #tpu.memory_space<hbm>> -> memref<1x50x64xf32, #tpu.memory_space<hbm>>
    %dma_wait3A_144 = tpu.memref_squeeze %dma_wait3A_143 : memref<1x50x64xf32, #tpu.memory_space<hbm>> -> memref<50x64xf32, #tpu.memory_space<hbm>>
    %dma_wait3A_145 = arith.constant 0 : i32
    %dma_wait3A_146 = arith.constant 0 : i32
    %dma_wait3A_147 = tpu.memref_slice %arg4[%add3A_135, %dma_wait3A_145, %dma_wait3A_146] : memref<16384x50x64xf32, #tpu.memory_space<hbm>> -> memref<1x50x64xf32, #tpu.memory_space<hbm>>
    %dma_wait3A_148 = tpu.memref_squeeze %dma_wait3A_147 : memref<1x50x64xf32, #tpu.memory_space<hbm>> -> memref<50x64xf32, #tpu.memory_space<hbm>>
    %dma_wait3A_149 = arith.constant 250 : i32
    %dma_wait3A_150 = arith.constant 0 : i32
    %dma_wait3A_151 = tpu.memref_slice %arg6[%dma_wait3A_136, %dma_wait3A_149, %dma_wait3A_150] : memref<2x400x64xf32, #tpu.memory_space<vmem>> -> memref<1x50x64xf32, #tpu.memory_space<vmem>>
    %dma_wait3A_152 = tpu.memref_squeeze %dma_wait3A_151 : memref<1x50x64xf32, #tpu.memory_space<vmem>> -> memref<50x64xf32, #tpu.memory_space<vmem>>
    tpu.wait_dma2 semaphore(%arg9 : memref<!tpu.dma_semaphore, #tpu.memory_space<semaphore_mem>>) src(%dma_wait3A_152 : memref<50x64xf32, #tpu.memory_space<vmem>>) dst(%dma_wait3A_148 : memref<50x64xf32, #tpu.memory_space<hbm>>)
    %add3A_153 = arith.constant 496 : i32
    %add3A_154 = arith.addi %mul3A_4, %add3A_153 : i32
    %add3A_155 = arith.constant 6 : i32
    %add3A_156 = arith.addi %add3A_154, %add3A_155 : i32
    %dma_wait3A_157 = arith.constant 0 : i32
    %dma_wait3A_158 = arith.constant 300 : i32
    %dma_wait3A_159 = arith.constant 0 : i32
    %dma_wait3A_160 = tpu.memref_slice %arg6[%dma_wait3A_157, %dma_wait3A_158, %dma_wait3A_159] : memref<2x400x64xf32, #tpu.memory_space<vmem>> -> memref<1x50x64xf32, #tpu.memory_space<vmem>>
    %dma_wait3A_161 = tpu.memref_squeeze %dma_wait3A_160 : memref<1x50x64xf32, #tpu.memory_space<vmem>> -> memref<50x64xf32, #tpu.memory_space<vmem>>
    %dma_wait3A_162 = arith.constant 0 : i32
    %dma_wait3A_163 = arith.constant 0 : i32
    %dma_wait3A_164 = tpu.memref_slice %arg4[%add3A_156, %dma_wait3A_162, %dma_wait3A_163] : memref<16384x50x64xf32, #tpu.memory_space<hbm>> -> memref<1x50x64xf32, #tpu.memory_space<hbm>>
    %dma_wait3A_165 = tpu.memref_squeeze %dma_wait3A_164 : memref<1x50x64xf32, #tpu.memory_space<hbm>> -> memref<50x64xf32, #tpu.memory_space<hbm>>
    %dma_wait3A_166 = arith.constant 0 : i32
    %dma_wait3A_167 = arith.constant 0 : i32
    %dma_wait3A_168 = tpu.memref_slice %arg4[%add3A_156, %dma_wait3A_166, %dma_wait3A_167] : memref<16384x50x64xf32, #tpu.memory_space<hbm>> -> memref<1x50x64xf32, #tpu.memory_space<hbm>>
    %dma_wait3A_169 = tpu.memref_squeeze %dma_wait3A_168 : memref<1x50x64xf32, #tpu.memory_space<hbm>> -> memref<50x64xf32, #tpu.memory_space<hbm>>
    %dma_wait3A_170 = arith.constant 300 : i32
    %dma_wait3A_171 = arith.constant 0 : i32
    %dma_wait3A_172 = tpu.memref_slice %arg6[%dma_wait3A_157, %dma_wait3A_170, %dma_wait3A_171] : memref<2x400x64xf32, #tpu.memory_space<vmem>> -> memref<1x50x64xf32, #tpu.memory_space<vmem>>
    %dma_wait3A_173 = tpu.memref_squeeze %dma_wait3A_172 : memref<1x50x64xf32, #tpu.memory_space<vmem>> -> memref<50x64xf32, #tpu.memory_space<vmem>>
    tpu.wait_dma2 semaphore(%arg9 : memref<!tpu.dma_semaphore, #tpu.memory_space<semaphore_mem>>) src(%dma_wait3A_173 : memref<50x64xf32, #tpu.memory_space<vmem>>) dst(%dma_wait3A_169 : memref<50x64xf32, #tpu.memory_space<hbm>>)
    %add3A_174 = arith.constant 496 : i32
    %add3A_175 = arith.addi %mul3A_4, %add3A_174 : i32
    %add3A_176 = arith.constant 7 : i32
    %add3A_177 = arith.addi %add3A_175, %add3A_176 : i32
    %dma_wait3A_178 = arith.constant 0 : i32
    %dma_wait3A_179 = arith.constant 350 : i32
    %dma_wait3A_180 = arith.constant 0 : i32
    %dma_wait3A_181 = tpu.memref_slice %arg6[%dma_wait3A_178, %dma_wait3A_179, %dma_wait3A_180] : memref<2x400x64xf32, #tpu.memory_space<vmem>> -> memref<1x50x64xf32, #tpu.memory_space<vmem>>
    %dma_wait3A_182 = tpu.memref_squeeze %dma_wait3A_181 : memref<1x50x64xf32, #tpu.memory_space<vmem>> -> memref<50x64xf32, #tpu.memory_space<vmem>>
    %dma_wait3A_183 = arith.constant 0 : i32
    %dma_wait3A_184 = arith.constant 0 : i32
    %dma_wait3A_185 = tpu.memref_slice %arg4[%add3A_177, %dma_wait3A_183, %dma_wait3A_184] : memref<16384x50x64xf32, #tpu.memory_space<hbm>> -> memref<1x50x64xf32, #tpu.memory_space<hbm>>
    %dma_wait3A_186 = tpu.memref_squeeze %dma_wait3A_185 : memref<1x50x64xf32, #tpu.memory_space<hbm>> -> memref<50x64xf32, #tpu.memory_space<hbm>>
    %dma_wait3A_187 = arith.constant 0 : i32
    %dma_wait3A_188 = arith.constant 0 : i32
    %dma_wait3A_189 = tpu.memref_slice %arg4[%add3A_177, %dma_wait3A_187, %dma_wait3A_188] : memref<16384x50x64xf32, #tpu.memory_space<hbm>> -> memref<1x50x64xf32, #tpu.memory_space<hbm>>
    %dma_wait3A_190 = tpu.memref_squeeze %dma_wait3A_189 : memref<1x50x64xf32, #tpu.memory_space<hbm>> -> memref<50x64xf32, #tpu.memory_space<hbm>>
    %dma_wait3A_191 = arith.constant 350 : i32
    %dma_wait3A_192 = arith.constant 0 : i32
    %dma_wait3A_193 = tpu.memref_slice %arg6[%dma_wait3A_178, %dma_wait3A_191, %dma_wait3A_192] : memref<2x400x64xf32, #tpu.memory_space<vmem>> -> memref<1x50x64xf32, #tpu.memory_space<vmem>>
    %dma_wait3A_194 = tpu.memref_squeeze %dma_wait3A_193 : memref<1x50x64xf32, #tpu.memory_space<vmem>> -> memref<50x64xf32, #tpu.memory_space<vmem>>
    tpu.wait_dma2 semaphore(%arg9 : memref<!tpu.dma_semaphore, #tpu.memory_space<semaphore_mem>>) src(%dma_wait3A_194 : memref<50x64xf32, #tpu.memory_space<vmem>>) dst(%dma_wait3A_190 : memref<50x64xf32, #tpu.memory_space<hbm>>)
    %add3A_195 = arith.constant 504 : i32
    %add3A_196 = arith.addi %mul3A_4, %add3A_195 : i32
    %add3A_197 = arith.constant 0 : i32
    %add3A_198 = arith.addi %add3A_196, %add3A_197 : i32
    %dma_wait3A_199 = arith.constant 1 : i32
    %dma_wait3A_200 = arith.constant 0 : i32
    %dma_wait3A_201 = arith.constant 0 : i32
    %dma_wait3A_202 = tpu.memref_slice %arg6[%dma_wait3A_199, %dma_wait3A_200, %dma_wait3A_201] : memref<2x400x64xf32, #tpu.memory_space<vmem>> -> memref<1x50x64xf32, #tpu.memory_space<vmem>>
    %dma_wait3A_203 = tpu.memref_squeeze %dma_wait3A_202 : memref<1x50x64xf32, #tpu.memory_space<vmem>> -> memref<50x64xf32, #tpu.memory_space<vmem>>
    %dma_wait3A_204 = arith.constant 0 : i32
    %dma_wait3A_205 = arith.constant 0 : i32
    %dma_wait3A_206 = tpu.memref_slice %arg4[%add3A_198, %dma_wait3A_204, %dma_wait3A_205] : memref<16384x50x64xf32, #tpu.memory_space<hbm>> -> memref<1x50x64xf32, #tpu.memory_space<hbm>>
    %dma_wait3A_207 = tpu.memref_squeeze %dma_wait3A_206 : memref<1x50x64xf32, #tpu.memory_space<hbm>> -> memref<50x64xf32, #tpu.memory_space<hbm>>
    %dma_wait3A_208 = arith.constant 0 : i32
    %dma_wait3A_209 = arith.constant 0 : i32
    %dma_wait3A_210 = tpu.memref_slice %arg4[%add3A_198, %dma_wait3A_208, %dma_wait3A_209] : memref<16384x50x64xf32, #tpu.memory_space<hbm>> -> memref<1x50x64xf32, #tpu.memory_space<hbm>>
    %dma_wait3A_211 = tpu.memref_squeeze %dma_wait3A_210 : memref<1x50x64xf32, #tpu.memory_space<hbm>> -> memref<50x64xf32, #tpu.memory_space<hbm>>
    %dma_wait3A_212 = arith.constant 0 : i32
    %dma_wait3A_213 = arith.constant 0 : i32
    %dma_wait3A_214 = tpu.memref_slice %arg6[%dma_wait3A_199, %dma_wait3A_212, %dma_wait3A_213] : memref<2x400x64xf32, #tpu.memory_space<vmem>> -> memref<1x50x64xf32, #tpu.memory_space<vmem>>
    %dma_wait3A_215 = tpu.memref_squeeze %dma_wait3A_214 : memref<1x50x64xf32, #tpu.memory_space<vmem>> -> memref<50x64xf32, #tpu.memory_space<vmem>>
    tpu.wait_dma2 semaphore(%arg10 : memref<!tpu.dma_semaphore, #tpu.memory_space<semaphore_mem>>) src(%dma_wait3A_215 : memref<50x64xf32, #tpu.memory_space<vmem>>) dst(%dma_wait3A_211 : memref<50x64xf32, #tpu.memory_space<hbm>>)
    %add3A_216 = arith.constant 504 : i32
    %add3A_217 = arith.addi %mul3A_4, %add3A_216 : i32
    %add3A_218 = arith.constant 1 : i32
    %add3A_219 = arith.addi %add3A_217, %add3A_218 : i32
    %dma_wait3A_220 = arith.constant 1 : i32
    %dma_wait3A_221 = arith.constant 50 : i32
    %dma_wait3A_222 = arith.constant 0 : i32
    %dma_wait3A_223 = tpu.memref_slice %arg6[%dma_wait3A_220, %dma_wait3A_221, %dma_wait3A_222] : memref<2x400x64xf32, #tpu.memory_space<vmem>> -> memref<1x50x64xf32, #tpu.memory_space<vmem>>
    %dma_wait3A_224 = tpu.memref_squeeze %dma_wait3A_223 : memref<1x50x64xf32, #tpu.memory_space<vmem>> -> memref<50x64xf32, #tpu.memory_space<vmem>>
    %dma_wait3A_225 = arith.constant 0 : i32
    %dma_wait3A_226 = arith.constant 0 : i32
    %dma_wait3A_227 = tpu.memref_slice %arg4[%add3A_219, %dma_wait3A_225, %dma_wait3A_226] : memref<16384x50x64xf32, #tpu.memory_space<hbm>> -> memref<1x50x64xf32, #tpu.memory_space<hbm>>
    %dma_wait3A_228 = tpu.memref_squeeze %dma_wait3A_227 : memref<1x50x64xf32, #tpu.memory_space<hbm>> -> memref<50x64xf32, #tpu.memory_space<hbm>>
    %dma_wait3A_229 = arith.constant 0 : i32
    %dma_wait3A_230 = arith.constant 0 : i32
    %dma_wait3A_231 = tpu.memref_slice %arg4[%add3A_219, %dma_wait3A_229, %dma_wait3A_230] : memref<16384x50x64xf32, #tpu.memory_space<hbm>> -> memref<1x50x64xf32, #tpu.memory_space<hbm>>
    %dma_wait3A_232 = tpu.memref_squeeze %dma_wait3A_231 : memref<1x50x64xf32, #tpu.memory_space<hbm>> -> memref<50x64xf32, #tpu.memory_space<hbm>>
    %dma_wait3A_233 = arith.constant 50 : i32
    %dma_wait3A_234 = arith.constant 0 : i32
    %dma_wait3A_235 = tpu.memref_slice %arg6[%dma_wait3A_220, %dma_wait3A_233, %dma_wait3A_234] : memref<2x400x64xf32, #tpu.memory_space<vmem>> -> memref<1x50x64xf32, #tpu.memory_space<vmem>>
    %dma_wait3A_236 = tpu.memref_squeeze %dma_wait3A_235 : memref<1x50x64xf32, #tpu.memory_space<vmem>> -> memref<50x64xf32, #tpu.memory_space<vmem>>
    tpu.wait_dma2 semaphore(%arg10 : memref<!tpu.dma_semaphore, #tpu.memory_space<semaphore_mem>>) src(%dma_wait3A_236 : memref<50x64xf32, #tpu.memory_space<vmem>>) dst(%dma_wait3A_232 : memref<50x64xf32, #tpu.memory_space<hbm>>)
    %add3A_237 = arith.constant 504 : i32
    %add3A_238 = arith.addi %mul3A_4, %add3A_237 : i32
    %add3A_239 = arith.constant 2 : i32
    %add3A_240 = arith.addi %add3A_238, %add3A_239 : i32
    %dma_wait3A_241 = arith.constant 1 : i32
    %dma_wait3A_242 = arith.constant 100 : i32
    %dma_wait3A_243 = arith.constant 0 : i32
    %dma_wait3A_244 = tpu.memref_slice %arg6[%dma_wait3A_241, %dma_wait3A_242, %dma_wait3A_243] : memref<2x400x64xf32, #tpu.memory_space<vmem>> -> memref<1x50x64xf32, #tpu.memory_space<vmem>>
    %dma_wait3A_245 = tpu.memref_squeeze %dma_wait3A_244 : memref<1x50x64xf32, #tpu.memory_space<vmem>> -> memref<50x64xf32, #tpu.memory_space<vmem>>
    %dma_wait3A_246 = arith.constant 0 : i32
    %dma_wait3A_247 = arith.constant 0 : i32
    %dma_wait3A_248 = tpu.memref_slice %arg4[%add3A_240, %dma_wait3A_246, %dma_wait3A_247] : memref<16384x50x64xf32, #tpu.memory_space<hbm>> -> memref<1x50x64xf32, #tpu.memory_space<hbm>>
    %dma_wait3A_249 = tpu.memref_squeeze %dma_wait3A_248 : memref<1x50x64xf32, #tpu.memory_space<hbm>> -> memref<50x64xf32, #tpu.memory_space<hbm>>
    %dma_wait3A_250 = arith.constant 0 : i32
    %dma_wait3A_251 = arith.constant 0 : i32
    %dma_wait3A_252 = tpu.memref_slice %arg4[%add3A_240, %dma_wait3A_250, %dma_wait3A_251] : memref<16384x50x64xf32, #tpu.memory_space<hbm>> -> memref<1x50x64xf32, #tpu.memory_space<hbm>>
    %dma_wait3A_253 = tpu.memref_squeeze %dma_wait3A_252 : memref<1x50x64xf32, #tpu.memory_space<hbm>> -> memref<50x64xf32, #tpu.memory_space<hbm>>
    %dma_wait3A_254 = arith.constant 100 : i32
    %dma_wait3A_255 = arith.constant 0 : i32
    %dma_wait3A_256 = tpu.memref_slice %arg6[%dma_wait3A_241, %dma_wait3A_254, %dma_wait3A_255] : memref<2x400x64xf32, #tpu.memory_space<vmem>> -> memref<1x50x64xf32, #tpu.memory_space<vmem>>
    %dma_wait3A_257 = tpu.memref_squeeze %dma_wait3A_256 : memref<1x50x64xf32, #tpu.memory_space<vmem>> -> memref<50x64xf32, #tpu.memory_space<vmem>>
    tpu.wait_dma2 semaphore(%arg10 : memref<!tpu.dma_semaphore, #tpu.memory_space<semaphore_mem>>) src(%dma_wait3A_257 : memref<50x64xf32, #tpu.memory_space<vmem>>) dst(%dma_wait3A_253 : memref<50x64xf32, #tpu.memory_space<hbm>>)
    %add3A_258 = arith.constant 504 : i32
    %add3A_259 = arith.addi %mul3A_4, %add3A_258 : i32
    %add3A_260 = arith.constant 3 : i32
    %add3A_261 = arith.addi %add3A_259, %add3A_260 : i32
    %dma_wait3A_262 = arith.constant 1 : i32
    %dma_wait3A_263 = arith.constant 150 : i32
    %dma_wait3A_264 = arith.constant 0 : i32
    %dma_wait3A_265 = tpu.memref_slice %arg6[%dma_wait3A_262, %dma_wait3A_263, %dma_wait3A_264] : memref<2x400x64xf32, #tpu.memory_space<vmem>> -> memref<1x50x64xf32, #tpu.memory_space<vmem>>
    %dma_wait3A_266 = tpu.memref_squeeze %dma_wait3A_265 : memref<1x50x64xf32, #tpu.memory_space<vmem>> -> memref<50x64xf32, #tpu.memory_space<vmem>>
    %dma_wait3A_267 = arith.constant 0 : i32
    %dma_wait3A_268 = arith.constant 0 : i32
    %dma_wait3A_269 = tpu.memref_slice %arg4[%add3A_261, %dma_wait3A_267, %dma_wait3A_268] : memref<16384x50x64xf32, #tpu.memory_space<hbm>> -> memref<1x50x64xf32, #tpu.memory_space<hbm>>
    %dma_wait3A_270 = tpu.memref_squeeze %dma_wait3A_269 : memref<1x50x64xf32, #tpu.memory_space<hbm>> -> memref<50x64xf32, #tpu.memory_space<hbm>>
    %dma_wait3A_271 = arith.constant 0 : i32
    %dma_wait3A_272 = arith.constant 0 : i32
    %dma_wait3A_273 = tpu.memref_slice %arg4[%add3A_261, %dma_wait3A_271, %dma_wait3A_272] : memref<16384x50x64xf32, #tpu.memory_space<hbm>> -> memref<1x50x64xf32, #tpu.memory_space<hbm>>
    %dma_wait3A_274 = tpu.memref_squeeze %dma_wait3A_273 : memref<1x50x64xf32, #tpu.memory_space<hbm>> -> memref<50x64xf32, #tpu.memory_space<hbm>>
    %dma_wait3A_275 = arith.constant 150 : i32
    %dma_wait3A_276 = arith.constant 0 : i32
    %dma_wait3A_277 = tpu.memref_slice %arg6[%dma_wait3A_262, %dma_wait3A_275, %dma_wait3A_276] : memref<2x400x64xf32, #tpu.memory_space<vmem>> -> memref<1x50x64xf32, #tpu.memory_space<vmem>>
    %dma_wait3A_278 = tpu.memref_squeeze %dma_wait3A_277 : memref<1x50x64xf32, #tpu.memory_space<vmem>> -> memref<50x64xf32, #tpu.memory_space<vmem>>
    tpu.wait_dma2 semaphore(%arg10 : memref<!tpu.dma_semaphore, #tpu.memory_space<semaphore_mem>>) src(%dma_wait3A_278 : memref<50x64xf32, #tpu.memory_space<vmem>>) dst(%dma_wait3A_274 : memref<50x64xf32, #tpu.memory_space<hbm>>)
    %add3A_279 = arith.constant 504 : i32
    %add3A_280 = arith.addi %mul3A_4, %add3A_279 : i32
    %add3A_281 = arith.constant 4 : i32
    %add3A_282 = arith.addi %add3A_280, %add3A_281 : i32
    %dma_wait3A_283 = arith.constant 1 : i32
    %dma_wait3A_284 = arith.constant 200 : i32
    %dma_wait3A_285 = arith.constant 0 : i32
    %dma_wait3A_286 = tpu.memref_slice %arg6[%dma_wait3A_283, %dma_wait3A_284, %dma_wait3A_285] : memref<2x400x64xf32, #tpu.memory_space<vmem>> -> memref<1x50x64xf32, #tpu.memory_space<vmem>>
    %dma_wait3A_287 = tpu.memref_squeeze %dma_wait3A_286 : memref<1x50x64xf32, #tpu.memory_space<vmem>> -> memref<50x64xf32, #tpu.memory_space<vmem>>
    %dma_wait3A_288 = arith.constant 0 : i32
    %dma_wait3A_289 = arith.constant 0 : i32
    %dma_wait3A_290 = tpu.memref_slice %arg4[%add3A_282, %dma_wait3A_288, %dma_wait3A_289] : memref<16384x50x64xf32, #tpu.memory_space<hbm>> -> memref<1x50x64xf32, #tpu.memory_space<hbm>>
    %dma_wait3A_291 = tpu.memref_squeeze %dma_wait3A_290 : memref<1x50x64xf32, #tpu.memory_space<hbm>> -> memref<50x64xf32, #tpu.memory_space<hbm>>
    %dma_wait3A_292 = arith.constant 0 : i32
    %dma_wait3A_293 = arith.constant 0 : i32
    %dma_wait3A_294 = tpu.memref_slice %arg4[%add3A_282, %dma_wait3A_292, %dma_wait3A_293] : memref<16384x50x64xf32, #tpu.memory_space<hbm>> -> memref<1x50x64xf32, #tpu.memory_space<hbm>>
    %dma_wait3A_295 = tpu.memref_squeeze %dma_wait3A_294 : memref<1x50x64xf32, #tpu.memory_space<hbm>> -> memref<50x64xf32, #tpu.memory_space<hbm>>
    %dma_wait3A_296 = arith.constant 200 : i32
    %dma_wait3A_297 = arith.constant 0 : i32
    %dma_wait3A_298 = tpu.memref_slice %arg6[%dma_wait3A_283, %dma_wait3A_296, %dma_wait3A_297] : memref<2x400x64xf32, #tpu.memory_space<vmem>> -> memref<1x50x64xf32, #tpu.memory_space<vmem>>
    %dma_wait3A_299 = tpu.memref_squeeze %dma_wait3A_298 : memref<1x50x64xf32, #tpu.memory_space<vmem>> -> memref<50x64xf32, #tpu.memory_space<vmem>>
    tpu.wait_dma2 semaphore(%arg10 : memref<!tpu.dma_semaphore, #tpu.memory_space<semaphore_mem>>) src(%dma_wait3A_299 : memref<50x64xf32, #tpu.memory_space<vmem>>) dst(%dma_wait3A_295 : memref<50x64xf32, #tpu.memory_space<hbm>>)
    %add3A_300 = arith.constant 504 : i32
    %add3A_301 = arith.addi %mul3A_4, %add3A_300 : i32
    %add3A_302 = arith.constant 5 : i32
    %add3A_303 = arith.addi %add3A_301, %add3A_302 : i32
    %dma_wait3A_304 = arith.constant 1 : i32
    %dma_wait3A_305 = arith.constant 250 : i32
    %dma_wait3A_306 = arith.constant 0 : i32
    %dma_wait3A_307 = tpu.memref_slice %arg6[%dma_wait3A_304, %dma_wait3A_305, %dma_wait3A_306] : memref<2x400x64xf32, #tpu.memory_space<vmem>> -> memref<1x50x64xf32, #tpu.memory_space<vmem>>
    %dma_wait3A_308 = tpu.memref_squeeze %dma_wait3A_307 : memref<1x50x64xf32, #tpu.memory_space<vmem>> -> memref<50x64xf32, #tpu.memory_space<vmem>>
    %dma_wait3A_309 = arith.constant 0 : i32
    %dma_wait3A_310 = arith.constant 0 : i32
    %dma_wait3A_311 = tpu.memref_slice %arg4[%add3A_303, %dma_wait3A_309, %dma_wait3A_310] : memref<16384x50x64xf32, #tpu.memory_space<hbm>> -> memref<1x50x64xf32, #tpu.memory_space<hbm>>
    %dma_wait3A_312 = tpu.memref_squeeze %dma_wait3A_311 : memref<1x50x64xf32, #tpu.memory_space<hbm>> -> memref<50x64xf32, #tpu.memory_space<hbm>>
    %dma_wait3A_313 = arith.constant 0 : i32
    %dma_wait3A_314 = arith.constant 0 : i32
    %dma_wait3A_315 = tpu.memref_slice %arg4[%add3A_303, %dma_wait3A_313, %dma_wait3A_314] : memref<16384x50x64xf32, #tpu.memory_space<hbm>> -> memref<1x50x64xf32, #tpu.memory_space<hbm>>
    %dma_wait3A_316 = tpu.memref_squeeze %dma_wait3A_315 : memref<1x50x64xf32, #tpu.memory_space<hbm>> -> memref<50x64xf32, #tpu.memory_space<hbm>>
    %dma_wait3A_317 = arith.constant 250 : i32
    %dma_wait3A_318 = arith.constant 0 : i32
    %dma_wait3A_319 = tpu.memref_slice %arg6[%dma_wait3A_304, %dma_wait3A_317, %dma_wait3A_318] : memref<2x400x64xf32, #tpu.memory_space<vmem>> -> memref<1x50x64xf32, #tpu.memory_space<vmem>>
    %dma_wait3A_320 = tpu.memref_squeeze %dma_wait3A_319 : memref<1x50x64xf32, #tpu.memory_space<vmem>> -> memref<50x64xf32, #tpu.memory_space<vmem>>
    tpu.wait_dma2 semaphore(%arg10 : memref<!tpu.dma_semaphore, #tpu.memory_space<semaphore_mem>>) src(%dma_wait3A_320 : memref<50x64xf32, #tpu.memory_space<vmem>>) dst(%dma_wait3A_316 : memref<50x64xf32, #tpu.memory_space<hbm>>)
    %add3A_321 = arith.constant 504 : i32
    %add3A_322 = arith.addi %mul3A_4, %add3A_321 : i32
    %add3A_323 = arith.constant 6 : i32
    %add3A_324 = arith.addi %add3A_322, %add3A_323 : i32
    %dma_wait3A_325 = arith.constant 1 : i32
    %dma_wait3A_326 = arith.constant 300 : i32
    %dma_wait3A_327 = arith.constant 0 : i32
    %dma_wait3A_328 = tpu.memref_slice %arg6[%dma_wait3A_325, %dma_wait3A_326, %dma_wait3A_327] : memref<2x400x64xf32, #tpu.memory_space<vmem>> -> memref<1x50x64xf32, #tpu.memory_space<vmem>>
    %dma_wait3A_329 = tpu.memref_squeeze %dma_wait3A_328 : memref<1x50x64xf32, #tpu.memory_space<vmem>> -> memref<50x64xf32, #tpu.memory_space<vmem>>
    %dma_wait3A_330 = arith.constant 0 : i32
    %dma_wait3A_331 = arith.constant 0 : i32
    %dma_wait3A_332 = tpu.memref_slice %arg4[%add3A_324, %dma_wait3A_330, %dma_wait3A_331] : memref<16384x50x64xf32, #tpu.memory_space<hbm>> -> memref<1x50x64xf32, #tpu.memory_space<hbm>>
    %dma_wait3A_333 = tpu.memref_squeeze %dma_wait3A_332 : memref<1x50x64xf32, #tpu.memory_space<hbm>> -> memref<50x64xf32, #tpu.memory_space<hbm>>
    %dma_wait3A_334 = arith.constant 0 : i32
    %dma_wait3A_335 = arith.constant 0 : i32
    %dma_wait3A_336 = tpu.memref_slice %arg4[%add3A_324, %dma_wait3A_334, %dma_wait3A_335] : memref<16384x50x64xf32, #tpu.memory_space<hbm>> -> memref<1x50x64xf32, #tpu.memory_space<hbm>>
    %dma_wait3A_337 = tpu.memref_squeeze %dma_wait3A_336 : memref<1x50x64xf32, #tpu.memory_space<hbm>> -> memref<50x64xf32, #tpu.memory_space<hbm>>
    %dma_wait3A_338 = arith.constant 300 : i32
    %dma_wait3A_339 = arith.constant 0 : i32
    %dma_wait3A_340 = tpu.memref_slice %arg6[%dma_wait3A_325, %dma_wait3A_338, %dma_wait3A_339] : memref<2x400x64xf32, #tpu.memory_space<vmem>> -> memref<1x50x64xf32, #tpu.memory_space<vmem>>
    %dma_wait3A_341 = tpu.memref_squeeze %dma_wait3A_340 : memref<1x50x64xf32, #tpu.memory_space<vmem>> -> memref<50x64xf32, #tpu.memory_space<vmem>>
    tpu.wait_dma2 semaphore(%arg10 : memref<!tpu.dma_semaphore, #tpu.memory_space<semaphore_mem>>) src(%dma_wait3A_341 : memref<50x64xf32, #tpu.memory_space<vmem>>) dst(%dma_wait3A_337 : memref<50x64xf32, #tpu.memory_space<hbm>>)
    %add3A_342 = arith.constant 504 : i32
    %add3A_343 = arith.addi %mul3A_4, %add3A_342 : i32
    %add3A_344 = arith.constant 7 : i32
    %add3A_345 = arith.addi %add3A_343, %add3A_344 : i32
    %dma_wait3A_346 = arith.constant 1 : i32
    %dma_wait3A_347 = arith.constant 350 : i32
    %dma_wait3A_348 = arith.constant 0 : i32
    %dma_wait3A_349 = tpu.memref_slice %arg6[%dma_wait3A_346, %dma_wait3A_347, %dma_wait3A_348] : memref<2x400x64xf32, #tpu.memory_space<vmem>> -> memref<1x50x64xf32, #tpu.memory_space<vmem>>
    %dma_wait3A_350 = tpu.memref_squeeze %dma_wait3A_349 : memref<1x50x64xf32, #tpu.memory_space<vmem>> -> memref<50x64xf32, #tpu.memory_space<vmem>>
    %dma_wait3A_351 = arith.constant 0 : i32
    %dma_wait3A_352 = arith.constant 0 : i32
    %dma_wait3A_353 = tpu.memref_slice %arg4[%add3A_345, %dma_wait3A_351, %dma_wait3A_352] : memref<16384x50x64xf32, #tpu.memory_space<hbm>> -> memref<1x50x64xf32, #tpu.memory_space<hbm>>
    %dma_wait3A_354 = tpu.memref_squeeze %dma_wait3A_353 : memref<1x50x64xf32, #tpu.memory_space<hbm>> -> memref<50x64xf32, #tpu.memory_space<hbm>>
    %dma_wait3A_355 = arith.constant 0 : i32
    %dma_wait3A_356 = arith.constant 0 : i32
    %dma_wait3A_357 = tpu.memref_slice %arg4[%add3A_345, %dma_wait3A_355, %dma_wait3A_356] : memref<16384x50x64xf32, #tpu.memory_space<hbm>> -> memref<1x50x64xf32, #tpu.memory_space<hbm>>
    %dma_wait3A_358 = tpu.memref_squeeze %dma_wait3A_357 : memref<1x50x64xf32, #tpu.memory_space<hbm>> -> memref<50x64xf32, #tpu.memory_space<hbm>>
    %dma_wait3A_359 = arith.constant 350 : i32
    %dma_wait3A_360 = arith.constant 0 : i32
    %dma_wait3A_361 = tpu.memref_slice %arg6[%dma_wait3A_346, %dma_wait3A_359, %dma_wait3A_360] : memref<2x400x64xf32, #tpu.memory_space<vmem>> -> memref<1x50x64xf32, #tpu.memory_space<vmem>>
    %dma_wait3A_362 = tpu.memref_squeeze %dma_wait3A_361 : memref<1x50x64xf32, #tpu.memory_space<vmem>> -> memref<50x64xf32, #tpu.memory_space<vmem>>
    tpu.wait_dma2 semaphore(%arg10 : memref<!tpu.dma_semaphore, #tpu.memory_space<semaphore_mem>>) src(%dma_wait3A_362 : memref<50x64xf32, #tpu.memory_space<vmem>>) dst(%dma_wait3A_358 : memref<50x64xf32, #tpu.memory_space<hbm>>)
    return
  }
}

</mosaic_0001>

<sc_bundles>
// kernel: _gather.3.cloned.1.call-start
scs
__scs_entry_jumppad:
0x0: {  	(pc) =	sbr.rel $0x88, $3  }
0x1: {  	(tag) =	ssettag $0x0;
	lr =	simm.s32 $0x1  }
0x2: {  	[smem:$0x3F9F] =	sst lr;
	_ =	strace $0xD0000000  }
0x3: {  	_ = 	snop  }
0x4: {  	_ = 	snop  }
0x5: {  	_ = 	snop  }
0x6: {  	_ = 	snop  }
0x7: {  	_ = 	snop  }
__scs_overlays_trampoline_lowered:
0x8: {  	[smem:$0x3FAE] =	sst s0  }
0x9: {  	[smem:$0x3FAF] =	sst s1  }
0xa: {  	[smem:$0x3FB0] =	sst s2  }
0xb: {  	[smem:$0x3FB1] =	sst s3  }
0xc: {  	[smem:$0x3FB2] =	sst s4  }
0xd: {  	[smem:$0x3FB3] =	sst s5  }
0xe: {  	[smem:$0x3FB4] =	sst s6  }
0xf: {  	[smem:$0x3FB5] =	sst s7  }
0x10: {  	[smem:$0x3FB6] =	sst s8  }
0x11: {  	[smem:$0x3FB7] =	sst s9;
	s0 =	simm.s32 @!p0 $0x0  }
0x12: {  	s1 =	sld [smem:$0x3F9D];
	s0 =	simm.s32 @p0 $0x1  }
0x13: {  	[smem:$0x3FB8] =	sst s0;
	s0 =	simm.s32 @!p1 $0x0  }
0x14: {  	s2 =	sld [smem:$0x3F9C];
	s0 =	simm.s32 @p1 $0x1  }
0x15: {  	[smem:$0x3FB9] =	sst s0;
	s0 =	simm.s32 @!p2 $0x0  }
0x16: {  	s3 =	sld [smem:$0x3FDB];
	s0 =	simm.s32 @p2 $0x1  }
0x17: {  	s4 =	simm.s32 $0x1BF5;
	[smem:$0x3FBB] =	sst s0  }
0x18: {  	s0 =	sld [smem:$0x3F9E];
	_ =	swait.ge [sflag:s4], $0x0  }
0x19: {  	s7 =	sld [smem:$0x3F9F]  }
0x1a: {  	s8 =	sadd.s32 $0xFFFFE003, lr  }
0x1b: {  	s9 =	sadd.s32 $0xFFFFFEF7, lr;
	s5 =	simm.s32 $0xFFFFFFFF;
	p2 =	slt.u32 s8, $0xFFFFF086  }
0x1c: {  	p1 =	slt.u32 s9, $0xF7A;
	s5 =	simm.s32 @!p2 $0x0  }
0x1d: {  	s5 =	simm.s32 @p1 $0x1;
	p0 =	seq.s32 s7, s2  }
0x1e: {  	s7 =	smul.u32 @!p0 $0xF7A, s2;
	p2 =	seq.s32 @!p0 s5, $0x0  }
0x1f: {  	s9 =	smul.u32 $0xF7A, s1;
	s8 =	simm.s32 @!p0 $0x1BF5;
	p2 =	por !p2, p0  }
0x20: {  	[sflag:s8] =	ssyncset.s32 @!p0 $0xFFFFF086;
	s6 =	sadd.s32 @!p0 s3, s7;
	s7 =	simm.s32 @!p0 $0x108  }
0x21: {  	s3 =	sadd.s32 s3, s9;
	s6 =	sadd.s32 @!p0 $0x88, s6;
	s7 =	simm.s32 @p2 $0x1082  }
0x22: {  	[simem:s7], [sflag:s8] =	dma.local @!p0 [hbm:s6], $0xF7A  }
0x23: {  	s9 =	sor.u32 $0xD0000000, s2;
	s6 =	simm.s32 $0x108;
	_ =	swait.ge @!p0 [sflag:s8], $0x0  }
0x24: {  	s3 =	sadd.s32 $0x88, s3;
	s6 =	simm.s32 @!p1 $0x1082;
	[sflag:s4] =	ssyncset.s32 $0xFFFFF086  }
0x25: {  	[simem:s6], [sflag:s4] =	dma.local [hbm:s3], $0xF7A  }
0x26: {  	[smem:$0x3F9F] =	sst s1;
	(tag) =	ssettag s2;
	_ =	strace s9  }
0x27: {  	s1 =	sld [smem:$0x3FAF]  }
0x28: {  	s2 =	sld [smem:$0x3FB0]  }
0x29: {  	s4 =	sld [smem:$0x3FB2]  }
0x2a: {  	p0 =	seq.s32 s5, $0x0;
	s5 =	sld [smem:$0x3FB3]  }
0x2b: {  	s6 =	sld [smem:$0x3FB4]  }
0x2c: {  	s7 =	sld [smem:$0x3FB5]  }
0x2d: {  	s3 =	simm.s32 $0x108;
	s8 =	sld [smem:$0x3FB6]  }
0x2e: {  	s3 =	simm.s32 @!p0 $0x1082;
	s9 =	sld [smem:$0x3FB7]  }
0x2f: {  	lr =	sadd.s32 s0, s3;
	s0 =	sld [smem:$0x3FAE]  }
0x30: {  	s3 =	sld [smem:$0x3FB1]  }
0x31: {  	[smem:$0x3FBA] =	sst s10  }
0x32: {  	s10 =	sld [smem:$0x3FB8];
	_ =	sdelay $0x3  }
0x33: {  	p0 =	seq.s32 s10, $0x1;
	s10 =	sld [smem:$0x3FBA];
	_ =	sdelay $0x3  }
0x34: {  	[smem:$0x3FBA] =	sst s10  }
0x35: {  	s10 =	sld [smem:$0x3FB9];
	_ =	sdelay $0x3  }
0x36: {  	p1 =	seq.s32 s10, $0x1;
	s10 =	sld [smem:$0x3FBA];
	_ =	sdelay $0x3  }
0x37: {  	[smem:$0x3FBA] =	sst s10  }
0x38: {  	s10 =	sld [smem:$0x3FBB]  }
0x39: {  	_ = 	snop;
	(pc) =	sbr.ind lr, $3  }
0x3a: {  	_ = 	snop  }
0x3b: {  	_ = 	snop  }
0x3c: {  	p2 =	seq.s32 s10, $0x1;
	s10 =	sld [smem:$0x3FBA]  }
0x3d: {  	_ =	shalt  }
0x3e: {  	_ =	shalt  }
0x3f: {  	_ =	shalt  }
0x40: {  	_ =	shalt  }
0x41: {  	_ =	shalt  }
0x42: {  	_ =	shalt  }
0x43: {  	_ =	shalt  }
0x44: {  	_ =	shalt  }
0x45: {  	_ =	shalt  }
0x46: {  	_ =	shalt  }
0x47: {  	_ =	shalt  }
0x48: {  	_ =	shalt  }
0x49: {  	_ =	shalt  }
0x4a: {  	_ =	shalt  }
0x4b: {  	_ =	shalt  }
0x4c: {  	_ =	shalt  }
0x4d: {  	_ =	shalt  }
0x4e: {  	_ =	shalt  }
0x4f: {  	_ =	shalt  }
0x50: {  	_ =	shalt  }
0x51: {  	_ =	shalt  }
0x52: {  	_ =	shalt  }
0x53: {  	_ =	shalt  }
0x54: {  	_ =	shalt  }
0x55: {  	_ =	shalt  }
0x56: {  	_ =	shalt  }
0x57: {  	_ =	shalt  }
0x58: {  	_ =	shalt  }
0x59: {  	_ =	shalt  }
0x5a: {  	_ =	shalt  }
0x5b: {  	_ =	shalt  }
0x5c: {  	_ =	shalt  }
0x5d: {  	_ =	shalt  }
0x5e: {  	_ =	shalt  }
0x5f: {  	_ =	shalt  }
0x60: {  	_ =	shalt  }
0x61: {  	_ =	shalt  }
0x62: {  	_ =	shalt  }
0x63: {  	_ =	shalt  }
0x64: {  	_ =	shalt  }
0x65: {  	_ =	shalt  }
0x66: {  	_ =	shalt  }
0x67: {  	_ =	shalt  }
0x68: {  	_ =	shalt  }
0x69: {  	_ =	shalt  }
0x6a: {  	_ =	shalt  }
0x6b: {  	_ =	shalt  }
0x6c: {  	_ =	shalt  }
0x6d: {  	_ =	shalt  }
0x6e: {  	_ =	shalt  }
0x6f: {  	_ =	shalt  }
0x70: {  	_ =	shalt  }
0x71: {  	_ =	shalt  }
0x72: {  	_ =	shalt  }
0x73: {  	_ =	shalt  }
0x74: {  	_ =	shalt  }
0x75: {  	_ =	shalt  }
0x76: {  	_ =	shalt  }
0x77: {  	_ =	shalt  }
0x78: {  	_ =	shalt  }
0x79: {  	_ =	shalt  }
0x7a: {  	_ =	shalt  }
0x7b: {  	_ =	shalt  }
0x7c: {  	_ =	shalt  }
0x7d: {  	_ =	shalt  }
0x7e: {  	_ =	shalt  }
0x7f: {  	_ =	shalt  }
0x80: {  	_ =	shalt  }
0x81: {  	_ =	shalt  }
0x82: {  	_ =	shalt  }
0x83: {  	_ =	shalt  }
0x84: {  	_ =	shalt  }
0x85: {  	_ =	shalt  }
0x86: {  	_ =	shalt  }
0x87: {  	_ =	shalt  }
.Lfunc_end0:
.L_simem_size_0:
called_computation.1_lowered:
.L_overlay_start_0:
0x88: {  	s2 =	sld [smem:$0x3FD9]  }
0x89: {  	s3 =	sld [smem:$0x3FFE];
	_ =	sdelay $0x1  }
0x8a: {  	s1 =	srdreg.scid  }
0x8b: {  	s0 =	sand.u32 $0x1, s1  }
0x8c: {  	s17 =	sshll.u32 s0, $0xA;
	s2 =	sadd.s32 s3, s2  }
0x8d: {  	s2 =	sadd.s32 s2, s17  }
0x8e: {  	[smem:$0x3FC6] =	sst s2  }
0x8f: {  	_ = 	snop  }
0x90: {  	s2 =	sld [smem:$0x3FC8]  }
0x91: {  	s18 =	sld [smem:$0x3FD0];
	(tm) =	ssettm $0x1  }
0x92: {  	s4 =	sld [smem:$0x3FFB];
	_ =	sdelay $0x3  }
0x93: {  	_ =	strace s4  }
0x94: {  	s4 =	sld [smem:$0x3FFC];
	_ =	sdelay $0x3  }
0x95: {  	_ =	strace s4  }
0x96: {  	s4 =	sld [smem:$0x3FFD];
	_ =	sdelay $0x3  }
0x97: {  	_ =	strace s4  }
0x98: {  	_ =	strace $0x8FFFFFFF  }
0x99: {  	s19 =	sld [smem:$0x3FDB];
	_ =	sdelay $0x1  }
0x9a: {  	s5 =	simm.s32 $_scs_section_size  }
0x9b: {  	s6 =	simm.s32 $_size__tile_overlayer_lowered;
	s7 =	simm.s32 $_tile_overlayer_lowered  }
0x9c: {  	s22 =	simm.s32 $0x1BFF;
	s21 =	sshll.u32 s7, $0x1;
	s4 =	sadd.s32 s5, s19  }
0x9d: {  	s8 =	simm.s32 $0x0;
	s20 =	sshll.u32 s6, $0x1;
	s6 =	sadd.s32 s21, s4  }
0x9e: {  	[timem:s8], [sflag:s22] =	dma.local [hbm:s6], s20  }
0x9f: {  	_ =	swait.ge [sflag:s22], s20  }
0xa0: {  	s5 =	ssub.s32 $0x0, s20;
	[sflag:s22] =	ssyncset.done $0x0  }
0xa1: {  	[sflag:s22] =	ssyncadd.s32 s5;
	_ =	sdelay $0x1  }
0xa2: {  	s23 =	simm.s32 $0x1B8B  }
0xa3: {  	_ =	swait.ge [sflag:s23], $0x1  }
0xa4: {  	[sflag:s23] =	ssyncset.done $0x0  }
0xa5: {  	s25 =	simm.s32 $0x1B8E;
	s24 =	sld [smem:$0x3FFE];
	[sflag:s23] =	ssyncadd.s32 $0xFFFFFFFF  }
0xa6: {  	s26 =	simm.s32 $execute0_lowered;
	[smem:$0x3FD2] =	sst s25  }
0xa7: {  	s6 =	sshll.u32 s26, $0x1;
	_ =	strace $0x80000046;
	[dreg:$0x1] =	wrdreg $0xFFFFFFFF  }
0xa8: {  	s28 =	simm.s32 $_size_execute0_lowered;
	s4 =	sadd.s32 s4, s6;
	[dreg:$0x0] =	wrdreg $0x0  }
0xa9: {  	s6 =	sshll.u32 s28, $0x1;
	[dreg:$0x2] =	wrdreg s4  }
0xaa: {  	[dreg:$0x3] =	wrdreg s6  }
0xab: {  	[dreg:$0x4] =	wrdreg $0xC0  }
0xac: {  	_ =	task [dreg:s8], $0x5FFFF  }
0xad: {  	[dreg:$0x1] =	wrdreg $0xFFFFFFFF  }
0xae: {  	[dreg:$0x0] =	wrdreg $0x60  }
0xaf: {  	[dreg:$0x2] =	wrdreg s24  }
0xb0: {  	[dreg:$0x3] =	wrdreg s2  }
0xb1: {  	[dreg:$0x4] =	wrdreg s18  }
0xb2: {  	[dreg:$0x5] =	wrdreg $0x9  }
0xb3: {  	_ =	task.clear_ibuf [dreg:s8], $0x6FFFF;
	_ =	strace $0x90000046  }
0xb4: {  	s29 =	simm.s32 $0x9;
	_ =	strace $0x80000048  }
0xb5: {  	_ =	swait.ge [sflag:s29], $0x1  }
0xb6: {  	[sflag:s29] =	ssyncadd.s32 $0xFFFFFFFF  }
0xb7: {  	_ =	strace $0x90000048  }
0xb8: {  	_ =	sfence  }
0xb9: {  	s30 =	sld [smem:$0x0];
	_ =	sdelay $0x2  }
0xba: {  	s31 =	sshll.u32 s1, $0xD;
	s1 =	sshrl.u32 s1, $0x2  }
0xbb: {  	s3 =	sand.u32 $0x4000, s31;
	s1 =	sadd.s32 s1, s30  }
0xbc: {  	s0 =	sor.u32 s3, s0;
	s1 =	sshll.u32 s1, $0x11  }
0xbd: {  	s0 =	sor.u32 s1, s0  }
0xbe: {  	s0 =	sadd.s32 $0x8F2B, s0  }
0xbf: {  	[sflag:s0] =	ssyncadd.remote.s32 $0x1  }
0xc0: {  	_ =	sfence.sel $0xFFFF  }
0xc1: {  	[dreg:$0x0] =	wrdreg $0xFFFFFFFF;
	(pc) =	sbr.abs _section_cstart, $3  }
0xc2: {  	[dreg:$0x1] =	wrdreg $0xFFFFFFFF  }
0xc3: {  	_ =	task.clear_ibuf [dreg:s8], $0x2FFFF;
	_ =	strace $0x9FFFFFFF  }
0xc4: {  	(tm) =	ssettm $0x7FFFFFFF  }
0xc5: {  	_ =	shalt  }
tec
execute0_lowered:
.L_overlay_start_1:
0x0: {  	(tag) =	ssettag $0x1  }
0x1: {  	s1 =	rddreg [dreg:$0x0]  }
0x2: {  	s4 =	rddreg [dreg:$0x1]  }
0x3: {  	s0 =	rddreg [dreg:$0x2];
	s2 =	simm.s32 $0x0  }
0x4: {  	s3 =	srdreg.scid;
	s11 =	stileid.u32;
	s29 =	simm.s32 $0x10680  }
0x5: {  	s30 =	simm.s32 $0x11F80;
	s28 =	simm.s32 $0x190;
	s6 =	smul.u32 $0x320000, s11  }
0x6: {  	s5 =	sand.u32 $0x1, s3;
	s21 =	sshll.u32 s11, $0x1;
	s16 =	smul.u32 $0x64000, s11  }
0x7: {  	[smem:$0x7FF] =	sst s2;
	s3 =	sor.u32 s5, s21;
	s7 =	smul.u32 $0x190000, s5  }
0x8: {  	_ =	strace $0x80000047;
	s8 =	ssub.s32 $0x2, s5;
	s9 =	smul.u32 $0xC80, s3  }
0x9: {  	s5 =	smul.u32 $0x32000, s5;
	s3 =	sadd.s32 $0xF42C00, s1;
	s22 =	sshrl.u32 s8, $0x1  }
0xa: {  	s18 =	sadd.s32 s7, s6;
	s1 =	ssub.s32 s8, s22;
	s4 =	sadd.s32 s4, s9  }
0xb: {  	s23 =	sor.u32 $0xBB80, s18;
	s1 =	smax.u32 s1, $0x1;
	s25 =	sor.u32 $0xAF00, s18  }
0xc: {  	s31 =	sor.u32 $0xA280, s18;
	s9 =	sor.u32 $0x9600, s18;
	s12 =	sor.u32 $0x8980, s18  }
0xd: {  	s14 =	sor.u32 $0x7D00, s18;
	s17 =	sor.u32 $0x7080, s18;
	s20 =	sor.u32 $0x4B00, s18  }
0xe: {  	s21 =	sor.u32 $0x3E80, s18;
	s22 =	sor.u32 $0x3200, s18;
	[dreg:$0x4] =	wrdreg s4  }
0xf: {  	[dreg:$0x5] =	wrdreg s1;
	s24 =	sshrl.u32 s23, $0x3;
	s26 =	sshrl.u32 s25, $0x3  }
0x10: {  	s8 =	sshrl.u32 s31, $0x3;
	s10 =	sshrl.u32 s9, $0x3;
	s13 =	sshrl.u32 s12, $0x3  }
0x11: {  	s15 =	sshrl.u32 s14, $0x3;
	s1 =	sshrl.u32 s17, $0x3;
	s4 =	sadd.s32 s16, s0  }
0x12: {  	s14 =	sor.u32 $0x5780, s18;
	s23 =	sshrl.u32 s22, $0x3;
	s25 =	sor.u32 $0x1900, s18  }
0x13: {  	s22 =	simm.s32 $0x11300;
	s6 =	sadd.s32 s24, s0;
	s7 =	sadd.s32 s26, s0  }
0x14: {  	s8 =	sadd.s32 s8, s0;
	s9 =	sadd.s32 s10, s0;
	s10 =	sadd.s32 s13, s0  }
0x15: {  	s11 =	sadd.s32 s15, s0;
	s12 =	sadd.s32 s1, s0;
	s13 =	sadd.s32 s5, s4  }
0x16: {  	s19 =	sshrl.u32 s14, $0x3;
	s1 =	sshrl.u32 s20, $0x3;
	s4 =	sshrl.u32 s21, $0x3  }
0x17: {  	s17 =	sadd.s32 s23, s0;
	s24 =	sor.u32 $0x2580, s18;
	s26 =	sor.u32 $0xC80, s18  }
.Ltmp0:
0x18: {  	s23 =	simm.s32 $0x4;
	s14 =	sadd.s32 s19, s0;
	(pc) =	sbr.rel .LBB2_1-.Ltmp0, $4  }
0x19: {  	s15 =	sadd.s32 s1, s0;
	s16 =	sadd.s32 s4, s0;
	s1 =	sshrl.u32 s24, $0x3  }
0x1a: {  	s4 =	sshrl.u32 s25, $0x3;
	s31 =	sshrl.u32 s26, $0x3;
	s24 =	simm.s32 $0xC800  }
0x1b: {  	s25 =	simm.s32 $0x1;
	s18 =	sadd.s32 s1, s0;
	s19 =	sadd.s32 s4, s0  }
0x1c: {  	s20 =	sadd.s32 s31, s0;
	s4 =	simm.s32 $0x2;
	s1 =	simm.s32 $0x0  }
.LBB2_4:
0x1d: {  	s0 =	simm.s32 $0x3  }
0x1e: {  	_ =	swait.ge [sflag:s0], $0xC80  }
0x1f: {  	[sflag:s0] =	ssyncset.done $0x0  }
0x20: {  	[sflag:s0] =	ssyncadd.s32 $0xFFFFF380  }
0x21: {  	_ =	swait.ge [sflag:s0], $0xC80  }
0x22: {  	[sflag:s0] =	ssyncset.done $0x0  }
0x23: {  	[sflag:s0] =	ssyncadd.s32 $0xFFFFF380  }
0x24: {  	_ =	swait.ge [sflag:s0], $0xC80  }
0x25: {  	[sflag:s0] =	ssyncset.done $0x0  }
0x26: {  	[sflag:s0] =	ssyncadd.s32 $0xFFFFF380  }
0x27: {  	_ =	swait.ge [sflag:s0], $0xC80  }
0x28: {  	[sflag:s0] =	ssyncset.done $0x0  }
0x29: {  	[sflag:s0] =	ssyncadd.s32 $0xFFFFF380  }
0x2a: {  	_ =	swait.ge [sflag:s0], $0xC80  }
0x2b: {  	[sflag:s0] =	ssyncset.done $0x0  }
0x2c: {  	[sflag:s0] =	ssyncadd.s32 $0xFFFFF380  }
0x2d: {  	_ =	swait.ge [sflag:s0], $0xC80  }
0x2e: {  	[sflag:s0] =	ssyncset.done $0x0  }
0x2f: {  	[sflag:s0] =	ssyncadd.s32 $0xFFFFF380  }
0x30: {  	_ =	swait.ge [sflag:s0], $0xC80  }
0x31: {  	[sflag:s0] =	ssyncset.done $0x0  }
0x32: {  	[sflag:s0] =	ssyncadd.s32 $0xFFFFF380  }
0x33: {  	_ =	swait.ge [sflag:s0], $0xC80  }
0x34: {  	[sflag:s0] =	ssyncset.done $0x0  }
0x35: {  	[sflag:s0] =	ssyncadd.s32 $0xFFFFF380  }
0x36: {  	_ =	swait.ge [sflag:s23], $0xC80  }
0x37: {  	[sflag:s23] =	ssyncset.done $0x0  }
0x38: {  	[sflag:s23] =	ssyncadd.s32 $0xFFFFF380  }
0x39: {  	_ =	swait.ge [sflag:s23], $0xC80  }
0x3a: {  	[sflag:s23] =	ssyncset.done $0x0  }
0x3b: {  	[sflag:s23] =	ssyncadd.s32 $0xFFFFF380  }
0x3c: {  	_ =	swait.ge [sflag:s23], $0xC80  }
0x3d: {  	[sflag:s23] =	ssyncset.done $0x0  }
0x3e: {  	[sflag:s23] =	ssyncadd.s32 $0xFFFFF380  }
0x3f: {  	_ =	swait.ge [sflag:s23], $0xC80  }
0x40: {  	[sflag:s23] =	ssyncset.done $0x0  }
0x41: {  	[sflag:s23] =	ssyncadd.s32 $0xFFFFF380  }
0x42: {  	_ =	swait.ge [sflag:s23], $0xC80  }
0x43: {  	[sflag:s23] =	ssyncset.done $0x0  }
0x44: {  	[sflag:s23] =	ssyncadd.s32 $0xFFFFF380  }
0x45: {  	_ =	swait.ge [sflag:s23], $0xC80  }
0x46: {  	[sflag:s23] =	ssyncset.done $0x0  }
0x47: {  	[sflag:s23] =	ssyncadd.s32 $0xFFFFF380  }
0x48: {  	_ =	swait.ge [sflag:s23], $0xC80  }
0x49: {  	[sflag:s23] =	ssyncset.done $0x0  }
0x4a: {  	[sflag:s23] =	ssyncadd.s32 $0xFFFFF380  }
0x4b: {  	_ =	swait.ge [sflag:s23], $0xC80  }
0x4c: {  	s1 =	rddreg [dreg:$0x6]  }
0x4d: {  	s31 =	rddreg [dreg:$0x5];
	s1 =	sadd.s32 $0x1, s1  }
0x4e: {  	p0 =	sne.s32 s1, s31  }
.Ltmp1:
0x4f: {  	_ = 	snop;
	(pc) =	sbr.rel @!p0 .LBB2_5-.Ltmp1, $3  }
0x50: {  	_ =	sdelay $0x1  }
0x51: {  	[sflag:s23] =	ssyncset.done $0x0  }
0x52: {  	[sflag:s23] =	ssyncadd.s32 $0xFFFFF380  }
.LBB2_1:
0x53: {  	[dreg:$0x6] =	wrdreg s1  }
0x54: {  	s0 =	rddreg [dreg:$0x4];
	s5 =	simm.s32 $0x5  }
0x55: {  	[tilespmem:s2], [sflag:$0x5] =	stream.linear.gather [hbm4b:s0+s2], $0x6400, $0x38;
	[tilespmem:$0x12C00] =	vst v63  }
0x56: {  	_ =	swait.ge [sflag:s5], $0x6400  }
0x57: {  	[sflag:s5] =	ssyncset.done $0x0  }
0x58: {  	s21 =	simm.s32 $0x190;
	s26 =	simm.s32 $0x6400;
	[sflag:s5] =	ssyncadd.s32 $0xFFFF9C00  }
0x59: {  	[tilespmem:s26], [sflag:$0x1] =	stream.indirect.gather [hbm4b:s3+s21], $0x40, s2, s21, $0xb8;
	[tilespmem:$0x12C00] =	vst v63  }
0x5a: {  	s31 =	simm.s32 $0x4B0;
	s0 =	simm.s32 $0x0  }
0x5b: {  	[tilespmem:s24], [sflag:$0x2] =	stream.indirect.gather [hbm4b:s3+s21], $0x40, s21, s21, $0xb8;
	[tilespmem:$0x12C00] =	vst v63  }
.LBB2_2:
0x5c: {  	_ =	swait.ge [sflag:s25], $0x6400  }
0x5d: {  	[sflag:s25] =	ssyncset.done $0x0  }
0x5e: {  	s1 =	sadd.s32 s0, s13;
	s5 =	simm.s32 $0x6400;
	[sflag:s25] =	ssyncadd.s32 $0xFFFF9C00  }
0x5f: {  	[hbm4b:s1+s2] =	stream.linear.scatter [tilespmem:s5], [sflag:$0x3], $0xC80, $0x38;
	[tilespmem:$0x12C00] =	vst v63  }
0x60: {  	s26 =	sadd.s32 s0, s20;
	s21 =	simm.s32 $0x7080  }
0x61: {  	[hbm4b:s26+s2] =	stream.linear.scatter [tilespmem:s21], [sflag:$0x3], $0xC80, $0x38;
	[tilespmem:$0x12C00] =	vst v63  }
0x62: {  	s21 =	sadd.s32 s0, s19;
	s26 =	simm.s32 $0x7D00  }
0x63: {  	[hbm4b:s21+s2] =	stream.linear.scatter [tilespmem:s26], [sflag:$0x3], $0xC80, $0x38;
	[tilespmem:$0x12C00] =	vst v63  }
0x64: {  	s21 =	sadd.s32 s0, s18;
	s26 =	simm.s32 $0x8980  }
0x65: {  	[hbm4b:s21+s2] =	stream.linear.scatter [tilespmem:s26], [sflag:$0x3], $0xC80, $0x38;
	[tilespmem:$0x12C00] =	vst v63  }
0x66: {  	s21 =	sadd.s32 s0, s17;
	s26 =	simm.s32 $0x9600  }
0x67: {  	[hbm4b:s21+s2] =	stream.linear.scatter [tilespmem:s26], [sflag:$0x3], $0xC80, $0x38;
	[tilespmem:$0x12C00] =	vst v63  }
0x68: {  	s21 =	sadd.s32 s0, s16;
	s26 =	simm.s32 $0xA280  }
0x69: {  	[hbm4b:s21+s2] =	stream.linear.scatter [tilespmem:s26], [sflag:$0x3], $0xC80, $0x38;
	[tilespmem:$0x12C00] =	vst v63  }
0x6a: {  	p0 =	seq.s32 s0, $0x30700;
	s21 =	sadd.s32 s0, s15;
	s26 =	simm.s32 $0xAF00  }
0x6b: {  	[hbm4b:s21+s2] =	stream.linear.scatter [tilespmem:s26], [sflag:$0x3], $0xC80, $0x38;
	[tilespmem:$0x12C00] =	vst v63  }
0x6c: {  	s5 =	simm.s32 @!p0 $0x3;
	s21 =	sadd.s32 s0, s14;
	s26 =	simm.s32 $0xBB80  }
0x6d: {  	[hbm4b:s21+s2] =	stream.linear.scatter [tilespmem:s26], [sflag:$0x3], $0xC80, $0x38;
	[tilespmem:$0x12C00] =	vst v63  }
0x6e: {  	_ =	swait.ge @!p0 [sflag:s5], $0xC80  }
0x6f: {  	[sflag:s5] =	ssyncset.done @!p0 $0x0  }
0x70: {  	[sflag:s5] =	ssyncadd.s32 @!p0 $0xFFFFF380  }
0x71: {  	_ =	swait.ge @!p0 [sflag:s5], $0xC80  }
0x72: {  	[sflag:s5] =	ssyncset.done @!p0 $0x0  }
0x73: {  	[sflag:s5] =	ssyncadd.s32 @!p0 $0xFFFFF380  }
0x74: {  	_ =	swait.ge @!p0 [sflag:s5], $0xC80  }
0x75: {  	[sflag:s5] =	ssyncset.done @!p0 $0x0  }
0x76: {  	[sflag:s5] =	ssyncadd.s32 @!p0 $0xFFFFF380  }
0x77: {  	_ =	swait.ge @!p0 [sflag:s5], $0xC80  }
0x78: {  	[sflag:s5] =	ssyncset.done @!p0 $0x0  }
0x79: {  	[sflag:s5] =	ssyncadd.s32 @!p0 $0xFFFFF380  }
0x7a: {  	_ =	swait.ge @!p0 [sflag:s5], $0xC80  }
0x7b: {  	[sflag:s5] =	ssyncset.done @!p0 $0x0  }
0x7c: {  	[sflag:s5] =	ssyncadd.s32 @!p0 $0xFFFFF380  }
0x7d: {  	_ =	swait.ge @!p0 [sflag:s5], $0xC80  }
0x7e: {  	[sflag:s5] =	ssyncset.done @!p0 $0x0  }
0x7f: {  	[sflag:s5] =	ssyncadd.s32 @!p0 $0xFFFFF380  }
0x80: {  	_ =	swait.ge @!p0 [sflag:s5], $0xC80  }
0x81: {  	[sflag:s5] =	ssyncset.done @!p0 $0x0  }
0x82: {  	[sflag:s5] =	ssyncadd.s32 @!p0 $0xFFFFF380  }
0x83: {  	_ =	swait.ge @!p0 [sflag:s5], $0xC80  }
0x84: {  	s21 =	simm.s32 @!p0 $0x190;
	[sflag:s5] =	ssyncset.done @!p0 $0x0  }
0x85: {  	s26 =	simm.s32 @!p0 $0x6400;
	[sflag:s5] =	ssyncadd.s32 @!p0 $0xFFFFF380;
	s5 =	sadd.s32 @!p0 $0xFFFFFE70, s31  }
0x86: {  	[tilespmem:s26], [sflag:$0x1] =	stream.indirect.gather @!p0 [hbm4b:s3+s21], $0x40, s5, s21, $0xb8;
	[tilespmem:$0x12C00] =	vst v63  }
0x87: {  	_ =	swait.ge [sflag:s4], $0x6400  }
0x88: {  	[sflag:s4] =	ssyncset.done $0x0  }
0x89: {  	s1 =	sadd.s32 $0xC80, s1;
	[sflag:s4] =	ssyncadd.s32 $0xFFFF9C00  }
0x8a: {  	[hbm4b:s1+s2] =	stream.linear.scatter [tilespmem:s24], [sflag:$0x4], $0xC80, $0x38;
	[tilespmem:$0x12C00] =	vst v63  }
0x8b: {  	s21 =	sadd.s32 s0, s12;
	s26 =	simm.s32 $0xD480  }
0x8c: {  	[hbm4b:s21+s2] =	stream.linear.scatter [tilespmem:s26], [sflag:$0x4], $0xC80, $0x38;
	[tilespmem:$0x12C00] =	vst v63  }
0x8d: {  	s21 =	sadd.s32 s0, s11;
	s26 =	simm.s32 $0xE100  }
0x8e: {  	[hbm4b:s21+s2] =	stream.linear.scatter [tilespmem:s26], [sflag:$0x4], $0xC80, $0x38;
	[tilespmem:$0x12C00] =	vst v63  }
0x8f: {  	s21 =	sadd.s32 s0, s10;
	s26 =	simm.s32 $0xED80  }
0x90: {  	[hbm4b:s21+s2] =	stream.linear.scatter [tilespmem:s26], [sflag:$0x4], $0xC80, $0x38;
	[tilespmem:$0x12C00] =	vst v63  }
0x91: {  	s21 =	sadd.s32 s0, s9;
	s26 =	simm.s32 $0xFA00  }
0x92: {  	[hbm4b:s21+s2] =	stream.linear.scatter [tilespmem:s26], [sflag:$0x4], $0xC80, $0x38;
	[tilespmem:$0x12C00] =	vst v63  }
0x93: {  	s5 =	sadd.s32 s0, s8  }
0x94: {  	[hbm4b:s5+s2] =	stream.linear.scatter [tilespmem:s29], [sflag:$0x4], $0xC80, $0x38;
	[tilespmem:$0x12C00] =	vst v63  }
.Ltmp2:
0x95: {  	_ = 	snop;
	(pc) =	sbr.rel @p0 .LBB2_4-.Ltmp2, $4  }
0x96: {  	s21 =	sadd.s32 s0, s7  }
0x97: {  	[hbm4b:s21+s2] =	stream.linear.scatter [tilespmem:s22], [sflag:$0x4], $0xC80, $0x38;
	[tilespmem:$0x12C00] =	vst v63  }
0x98: {  	s26 =	sadd.s32 s0, s6  }
0x99: {  	[hbm4b:s26+s2] =	stream.linear.scatter [tilespmem:s30], [sflag:$0x4], $0xC80, $0x38;
	[tilespmem:$0x12C00] =	vst v63  }
0x9a: {  	_ =	swait.ge [sflag:s23], $0xC80  }
0x9b: {  	[sflag:s23] =	ssyncset.done $0x0  }
0x9c: {  	[sflag:s23] =	ssyncadd.s32 $0xFFFFF380  }
0x9d: {  	_ =	swait.ge [sflag:s23], $0xC80  }
0x9e: {  	[sflag:s23] =	ssyncset.done $0x0  }
0x9f: {  	[sflag:s23] =	ssyncadd.s32 $0xFFFFF380  }
0xa0: {  	_ =	swait.ge [sflag:s23], $0xC80  }
0xa1: {  	[sflag:s23] =	ssyncset.done $0x0  }
0xa2: {  	[sflag:s23] =	ssyncadd.s32 $0xFFFFF380  }
0xa3: {  	_ =	swait.ge [sflag:s23], $0xC80  }
0xa4: {  	[sflag:s23] =	ssyncset.done $0x0  }
0xa5: {  	[sflag:s23] =	ssyncadd.s32 $0xFFFFF380  }
0xa6: {  	_ =	swait.ge [sflag:s23], $0xC80  }
0xa7: {  	[sflag:s23] =	ssyncset.done $0x0  }
0xa8: {  	[sflag:s23] =	ssyncadd.s32 $0xFFFFF380  }
0xa9: {  	_ =	swait.ge [sflag:s23], $0xC80  }
0xaa: {  	[sflag:s23] =	ssyncset.done $0x0  }
0xab: {  	[sflag:s23] =	ssyncadd.s32 $0xFFFFF380  }
0xac: {  	_ =	swait.ge [sflag:s23], $0xC80  }
0xad: {  	[sflag:s23] =	ssyncset.done $0x0  }
0xae: {  	[sflag:s23] =	ssyncadd.s32 $0xFFFFF380  }
.Ltmp3:
0xaf: {  	_ =	swait.ge [sflag:s23], $0xC80;
	(pc) =	sbr.rel .LBB2_2-.Ltmp3, $4  }
0xb0: {  	[sflag:s23] =	ssyncset.done $0x0  }
0xb1: {  	[sflag:s23] =	ssyncadd.s32 $0xFFFFF380  }
0xb2: {  	[tilespmem:s24], [sflag:$0x2] =	stream.indirect.gather [hbm4b:s3+s28], $0x40, s31, s28, $0xb8;
	[tilespmem:$0x12C00] =	vst v63  }
0xb3: {  	s0 =	sadd.s32 $0x1900, s0;
	s31 =	sadd.s32 $0x320, s31  }
.LBB2_5:
0xb4: {  	_ =	sfence.sel $0x180000  }
0xb5: {  	[bflag:$0x0] =	sbarrier.arrive $0xFFFF  }
0xb6: {  	_ =	strace $0x90000047  }
0xb7: {  	s0 =	stileid.u32;
	[bflag:$0x2] =	sbarrier.arrive $0xFFFF  }
0xb8: {  	p0 =	sne.s32 s0, $0x0;
	s0 =	rddreg [dreg:$0x3]  }
0xb9: {  	s0 =	sadd.s32 @!p0 $0x100000, s0  }
0xba: {  	[sflag:s0] =	ssyncadd.tile.s32 @!p0 $0x1;
	_ =	shalt  }
.Lfunc_end2:
_tile_overlayer_lowered:
.L_overlay_start_2:
0xbb: {  	(tag) =	ssettag $0x2  }
0xbc: {  	s0 =	rddreg [dreg:$0x0];
	s2 =	stileid.u32  }
0xbd: {  	s1 =	rddreg [dreg:$0x1];
	p0 =	sne.s32 s2, $0x0  }
0xbe: {  	s3 =	rddreg [dreg:$0x2];
	[bflag:$0x3] =	sbarrier.arrive $0xFFFF;
	s2 =	simm.s32 @!p0 $0x1C05  }
0xbf: {  	[timem:s3], [sflag:s2] =	dma.local @!p0 [hbm:s0], s1  }
0xc0: {  	s0 =	simm.s32 @!p0 $0x5  }
0xc1: {  	_ =	swait.ge @!p0 [sflag:s0], s1  }
0xc2: {  	s1 =	ssub.s32 @!p0 $0x0, s1;
	[sflag:s0] =	ssyncset.done @!p0 $0x0  }
0xc3: {  	[sflag:s0] =	ssyncadd.s32 @!p0 s1  }
0xc4: {  	[bflag:$0x3] =	sbarrier.arrive $0xFFFF  }
0xc5: {  	_ =	shalt  }

// kernel: sparse-core-data-format-call.cloned.1.call-start
scs
called_computation_lowered:
.L_overlay_start_0:
0x0: {  	s2 =	sld [smem:$0x3FD9]  }
0x1: {  	s3 =	sld [smem:$0x3FFE];
	_ =	sdelay $0x1  }
0x2: {  	s1 =	srdreg.scid  }
0x3: {  	s0 =	sand.u32 $0x1, s1  }
0x4: {  	s18 =	sshll.u32 s0, $0xA;
	s2 =	sadd.s32 s3, s2  }
0x5: {  	s2 =	sadd.s32 s2, s18  }
0x6: {  	[smem:$0x3FC6] =	sst s2  }
0x7: {  	_ = 	snop  }
0x8: {  	s2 =	sld [smem:$0x3FD0];
	(tm) =	ssettm $0x1  }
0x9: {  	s19 =	sld [smem:$0x3FFB];
	_ =	sdelay $0x3  }
0xa: {  	_ =	strace s19  }
0xb: {  	s3 =	sld [smem:$0x3FFC];
	_ =	sdelay $0x3  }
0xc: {  	_ =	strace s3  }
0xd: {  	s3 =	sld [smem:$0x3FFD];
	_ =	sdelay $0x3  }
0xe: {  	_ =	strace s3  }
0xf: {  	_ =	strace $0x8FFFFFFF  }
0x10: {  	s20 =	sld [smem:$0x3FDB];
	_ =	sdelay $0x1  }
0x11: {  	s4 =	simm.s32 $_scs_section_size  }
0x12: {  	s5 =	simm.s32 $_size__tile_overlayer_lowered;
	s6 =	simm.s32 $_tile_overlayer_lowered  }
0x13: {  	s23 =	simm.s32 $0x1BFF;
	s22 =	sshll.u32 s6, $0x1;
	s3 =	sadd.s32 s4, s20  }
0x14: {  	s7 =	simm.s32 $0x0;
	s21 =	sshll.u32 s5, $0x1;
	s5 =	sadd.s32 s22, s3  }
0x15: {  	[timem:s7], [sflag:s23] =	dma.local [hbm:s5], s21  }
0x16: {  	_ =	swait.ge [sflag:s23], s21  }
0x17: {  	s4 =	ssub.s32 $0x0, s21;
	[sflag:s23] =	ssyncset.done $0x0  }
0x18: {  	[sflag:s23] =	ssyncadd.s32 s4;
	_ =	sdelay $0x1  }
0x19: {  	s24 =	simm.s32 $0x1B8B  }
0x1a: {  	_ =	swait.ge [sflag:s24], $0x1  }
0x1b: {  	[sflag:s24] =	ssyncset.done $0x0  }
0x1c: {  	s26 =	simm.s32 $0x1B8E;
	s25 =	sld [smem:$0x3FFE];
	[sflag:s24] =	ssyncadd.s32 $0xFFFFFFFF  }
0x1d: {  	s27 =	simm.s32 $execute0_lowered;
	[smem:$0x3FD2] =	sst s26  }
0x1e: {  	s5 =	sshll.u32 s27, $0x1;
	_ =	strace $0x80000049;
	[dreg:$0x1] =	wrdreg $0xFFFFFFFF  }
0x1f: {  	s28 =	simm.s32 $_size_execute0_lowered;
	s3 =	sadd.s32 s3, s5;
	[dreg:$0x0] =	wrdreg $0x0  }
0x20: {  	s5 =	sshll.u32 s28, $0x1;
	[dreg:$0x2] =	wrdreg s3  }
0x21: {  	[dreg:$0x3] =	wrdreg s5  }
0x22: {  	[dreg:$0x4] =	wrdreg $0xC0  }
0x23: {  	_ =	task [dreg:s7], $0x5FFFF  }
0x24: {  	[dreg:$0x1] =	wrdreg $0xFFFFFFFF  }
0x25: {  	[dreg:$0x0] =	wrdreg $0x60  }
0x26: {  	[dreg:$0x2] =	wrdreg s25  }
0x27: {  	[dreg:$0x3] =	wrdreg s2  }
0x28: {  	[dreg:$0x4] =	wrdreg $0x9  }
0x29: {  	_ =	task.clear_ibuf [dreg:s7], $0x5FFFF;
	_ =	strace $0x90000049  }
0x2a: {  	s29 =	simm.s32 $0x9;
	_ =	strace $0x8000004B  }
0x2b: {  	_ =	swait.ge [sflag:s29], $0x1  }
0x2c: {  	[sflag:s29] =	ssyncadd.s32 $0xFFFFFFFF  }
0x2d: {  	_ =	strace $0x9000004B  }
0x2e: {  	_ =	sfence  }
0x2f: {  	s30 =	sld [smem:$0x0];
	_ =	sdelay $0x2  }
0x30: {  	s31 =	sshll.u32 s1, $0xD;
	s1 =	sshrl.u32 s1, $0x2  }
0x31: {  	s3 =	sand.u32 $0x4000, s31;
	s1 =	sadd.s32 s1, s30  }
0x32: {  	s0 =	sor.u32 s3, s0;
	s1 =	sshll.u32 s1, $0x11  }
0x33: {  	s0 =	sor.u32 s1, s0  }
0x34: {  	s0 =	sadd.s32 $0x8F2B, s0  }
0x35: {  	[sflag:s0] =	ssyncadd.remote.s32 $0x1  }
0x36: {  	_ =	sfence.sel $0xFFFF  }
0x37: {  	[dreg:$0x0] =	wrdreg $0xFFFFFFFF;
	(pc) =	sbr.abs _section_cstart, $3  }
0x38: {  	[dreg:$0x1] =	wrdreg $0xFFFFFFFF  }
0x39: {  	_ =	task.clear_ibuf [dreg:s7], $0x2FFFF;
	_ =	strace $0x9FFFFFFF  }
0x3a: {  	(tm) =	ssettm $0x7FFFFFFF  }
0x3b: {  	_ =	shalt  }
tec
execute0_lowered:
.L_overlay_start_1:
0x0: {  	(tag) =	ssettag $0x1  }
0x1: {  	s0 =	srdreg.scid  }
0x2: {  	s1 =	sshll.u32 s0, $0x4  }
0x3: {  	s0 =	stileid.u32;
	s1 =	sand.u32 $0x10, s1  }
0x4: {  	s1 =	sor.u32 s0, s1  }
0x5: {  	s6 =	rddreg [dreg:$0x0];
	s4 =	simm.s32 $0x1;
	s2 =	sshll.u32 s1, $0x7  }
0x6: {  	s7 =	simm.s32 $0x2;
	s12 =	simm.s32 $0x0;
	s1 =	ssub.s32 $0x4000, s2  }
0x7: {  	s8 =	simm.s32 $0x20000;
	s13 =	simm.s32 $0x0;
	s3 =	sand.u32 $0xF80, s1  }
0x8: {  	s9 =	simm.s32 $0x0;
	s5 =	sshrl.u32 s1, $0xC;
	p0 =	sne.s32 s3, $0x0  }
.Ltmp0:
0x9: {  	s1 =	rddreg [dreg:$0x2];
	s4 =	simm.s32 @!p0 $0x0;
	(pc) =	sbr.rel .LBB1_1-.Ltmp0, $4  }
0xa: {  	s11 =	simm.s32 $0x0;
	s3 =	rddreg [dreg:$0x1];
	s5 =	sadd.s32 s4, s5  }
0xb: {  	_ =	strace $0x8000004A;
	s4 =	simm.s32 $0x1;
	s5 =	smul.u32 $0x32, s5  }
0xc: {  	s6 =	sadd.s32 $0x800, s6;
	s10 =	smov.u32 s2;
	[sflag:s4] =	ssyncpa.u1 $0x0  }
0xd: {  	p0 =	por $0x0, $0x0;
	[sflag:s7] =	ssyncpa.u1 $0x0;
	s7 =	sor.u32 $0x1, s5  }
.LBB1_4:
0xe: {  	s16 =	sshll.u32 s13, $0x3;
	s17 =	sand.u32 $0x78, s13  }
0xf: {  	s30 =	sand.u32 $0x1F800, s13;
	s12 =	sshll.u32 s12, $0x11;
	s16 =	sand.u32 $0x3C00, s16  }
0x10: {  	[tilespmem:s15+$0x810 ss:$0x81] =	vst.msk $0xffff, v2;
	s31 =	sand.u32 $0x7, s13;
	s16 =	sor.u32 s17, s16;
	s17 =	sadd.s32 s3, s30  }
0x11: {  	[tilespmem:s15+$0x1020 ss:$0x81] =	vst.msk $0xffff, v0;
	s13 =	sshll.u32 s31, $0x12;
	s12 =	sadd.s32 s12, s17;
	s16 =	sshrl.u32 s16, $0x3  }
0x12: {  	[tilespmem:s15+$0x0 ss:$0x81] =	vst.msk $0xffff, v1;
	s13 =	sor.u32 $0x400, s13;
	s12 =	sadd.s32 s16, s12  }
0x13: {  	[hbm4b:s12+s13] =	stream.strided.scatter [tilespmem:s14], [sflag:$0x2], $0x2000, s8, s13, $0x20;
	[tilespmem:$0x8080] =	vst v63  }
.LBB1_5:
0x14: {  	s14 =	sadd.s32 $0x1, s9  }
0x15: {  	s12 =	sadd.s32 $0x1000, s10;
	s16 =	smov.u32 s10;
	p2 =	sgt.s32 s14, $0x31  }
0x16: {  	s16 =	smov.u32 @p2 s12  }
0x17: {  	s14 =	simm.s32 @p2 $0x0;
	p2 =	sgt.s32 s16, $0x3FFF  }
0x18: {  	s16 =	smov.u32 @p2 s2;
	p2 =	sne.s32 s11, s7  }
.Ltmp1:
0x19: {  	p1 =	slt.u32 s11, $0x2;
	(pc) =	sbr.rel @!p2 .LBB1_6-.Ltmp1, $4  }
0x1a: {  	s15 =	simm.s32 @!p1 $0x2  }
0x1b: {  	s13 =	smov.u32 s10;
	p0 =	por !p0, !p0;
	_ =	swait.ge @!p1 [sflag:s15], $0x2000  }
0x1c: {  	s12 =	smov.u32 s9;
	[sflag:s15] =	ssyncset.done @!p1 $0x0;
	s9 =	smov.u32 s14  }
0x1d: {  	s11 =	sadd.s32 $0x1, s11;
	[sflag:s15] =	ssyncadd.s32 @!p1 $0xFFFFE000;
	s10 =	smov.u32 s16  }
.LBB1_1:
0x1e: {  	p1 =	sge.u32 s11, s5  }
0x1f: {  	s14 =	sand.u32 @!p1 $0x1FFFFFF, s9  }
0x20: {  	s15 =	smulhi.u32 @!p1 $0x4924925, s14;
	_ =	sdelay $0x1  }
0x21: {  	s15 =	smul.u32 @!p1 $0x38, s15  }
0x22: {  	s16 =	sxor.u32 @!p1 $0xFFFFFFFF, s11;
	s17 =	smul.u32 @!p1 $0x380, s10  }
0x23: {  	s31 =	sadd.s32 $0xFFFFFFFF, s11;
	s16 =	sshll.u32 @!p1 s16, $0xD;
	s14 =	ssub.s32 @!p1 s14, s15  }
0x24: {  	s15 =	sand.u32 @!p1 $0x2000, s16;
	s16 =	sadd.s32 @!p1 s6, s17;
	s14 =	sshll.u32 @!p1 s14, $0x4  }
0x25: {  	s17 =	simm.s32 @!p1 $0x1C00;
	s14 =	sadd.s32 @!p1 s14, s16;
	s16 =	simm.s32 @!p1 $0x40  }
0x26: {  	[tilespmem:s15], [sflag:$0x1] =	stream.strided.gather @!p1 [hbm4b:s14+s16], $0x2000, s17, s16, $0x38;
	[tilespmem:$0x8080] =	vst v63  }
0x27: {  	p1 =	sge.u32 s31, s5  }
.Ltmp2:
0x28: {  	_ = 	snop;
	(pc) =	sbr.rel @p1 .LBB1_5-.Ltmp2, $1  }
0x29: {  	_ =	sdelay $0x3  }
0x2a: {  	s14 =	simm.s32 $0x1  }
0x2b: {  	_ =	swait.ge [sflag:s4], $0x2000;
	s14 =	simm.s32 @!p0 $0x0  }
0x2c: {  	[sflag:s4] =	ssyncset.done $0x0;
	s15 =	sshll.u32 s14, $0xD  }
0x2d: {  	[sflag:s4] =	ssyncadd.s32 $0xFFFFE000;
	s18 =	sor.u32 $0x20, s15  }
0x2e: {  	s14 =	smul.u32 $0x8100, s14;
	v3 =	vld [tilespmem:s18+$0x10]  }
0x2f: {  	s30 =	sand.u32 $0x1, s11;
	v2 =	vld [tilespmem:s18+$0xFFFFFFF0]  }
0x30: {  	s15 =	smul.u32 $0x8100, s30;
	s14 =	sshrl.u32 s14, $0x2;
	v0 =	vld [tilespmem:s18+$0x0]  }
0x31: {  	v1 =	vld [tilespmem:s18+$0xFFFFFFE0];
	s16 =	sor.u32 $0x4000, s14  }
0x32: {  	s31 =	sshrl.u32 s15, $0x2;
	s15 =	sadd.s32 $0x0, s16  }
0x33: {  	s17 =	simm.s32 $0x4;
	s18 =	sadd.s32 $0x40, s18;
	s14 =	sor.u32 $0x4000, s31;
	[tilespmem:s15+$0x1830 ss:$0x81] =	vst.msk $0xffff, v3  }
.LBB1_3:
0x34: {  	v3 =	vld [tilespmem:s18+$0x10];
	p1 =	sne.s32 s17, $0x1FC;
	[tilespmem:s15+$0x810 ss:$0x81] =	vst.msk $0xffff, v2;
	s19 =	smov.u32 s17;
	s17 =	sadd.s32 $0x4, s17  }
.Ltmp3:
0x35: {  	v2 =	vld [tilespmem:s18+$0xFFFFFFF0];
	[tilespmem:s15+$0x1020 ss:$0x81] =	vst.msk $0xffff, v0;
	(pc) =	sbr.rel @p1 .LBB1_3-.Ltmp3, $4  }
0x36: {  	v0 =	vld [tilespmem:s18+$0x0];
	[tilespmem:s15+$0x0 ss:$0x81] =	vst.msk $0xffff, v1  }
0x37: {  	s15 =	sshra.s32 s19, $0x2;
	v1 =	vld [tilespmem:s18+$0xFFFFFFE0]  }
0x38: {  	s15 =	sadd.s32 s15, s16  }
0x39: {  	s18 =	sadd.s32 $0x40, s18;
	[tilespmem:s15+$0x1830 ss:$0x81] =	vst.msk $0xffff, v3  }
.Ltmp4:
0x3a: {  	_ = 	snop;
	(pc) =	sbr.rel .LBB1_4-.Ltmp4, $1  }
0x3b: {  	_ =	sdelay $0x3  }
.LBB1_6:
0x3c: {  	_ =	sfence.sel $0x180000  }
0x3d: {  	s2 =	simm.s32 $0x1;
	[bflag:$0x0] =	sbarrier.arrive $0xFFFF  }
0x3e: {  	s31 =	simm.s32 $0x2;
	[sflag:s2] =	ssyncpa.u1 $0x1  }
0x3f: {  	[sflag:s31] =	ssyncpa.u1 $0x1  }
0x40: {  	p0 =	sne.s32 s0, $0x0;
	_ =	strace $0x9000004A  }
0x41: {  	s0 =	sadd.s32 @!p0 $0x100000, s1;
	[bflag:$0x2] =	sbarrier.arrive $0xFFFF  }
0x42: {  	[sflag:s0] =	ssyncadd.tile.s32 @!p0 $0x1;
	_ =	shalt  }
.Lfunc_end1:
_tile_overlayer_lowered:
.L_overlay_start_2:
0x43: {  	(tag) =	ssettag $0x2  }
0x44: {  	s0 =	rddreg [dreg:$0x0];
	s2 =	stileid.u32  }
0x45: {  	s1 =	rddreg [dreg:$0x1];
	p0 =	sne.s32 s2, $0x0  }
0x46: {  	s3 =	rddreg [dreg:$0x2];
	[bflag:$0x3] =	sbarrier.arrive $0xFFFF;
	s2 =	simm.s32 @!p0 $0x1C01  }
0x47: {  	[timem:s3], [sflag:s2] =	dma.local @!p0 [hbm:s0], s1  }
0x48: {  	s0 =	simm.s32 @!p0 $0x1  }
0x49: {  	_ =	swait.ge @!p0 [sflag:s0], s1  }
0x4a: {  	s1 =	ssub.s32 @!p0 $0x0, s1;
	[sflag:s0] =	ssyncset.done @!p0 $0x0  }
0x4b: {  	[sflag:s0] =	ssyncadd.s32 @!p0 s1  }
0x4c: {  	[bflag:$0x3] =	sbarrier.arrive $0xFFFF  }
0x4d: {  	_ =	shalt  }

</sc_bundles>
